<compile_context>
chip_gen: v7x
topology: tpu7x:2x2x1
jax: 0.10.2.dev20260603
libtpu: 0.0.44.dev20260713+nightly
codegen_flags: <defaults>
</compile_context>

<pallas_src>
import functools

import jax
import jax.numpy as jnp
from jax.experimental import pallas as pl
from jax.experimental.pallas import tpu as pltpu

_B = 4
_NPOINT = 8192
_S = 2048
_K = 32
_D = 128


_FPS_R = 8
_FPS_C = _S // _FPS_R


def _fps_body(xyz_ref, out_ref):
    xs = [xyz_ref[b, 0] for b in range(_B)]
    ys = [xyz_ref[b, 1] for b in range(_B)]
    zs = [xyz_ref[b, 2] for b in range(_B)]
    lane_i = (
        jax.lax.broadcasted_iota(jnp.int32, (_FPS_R, _FPS_C), 0) * _FPS_C
        + jax.lax.broadcasted_iota(jnp.int32, (_FPS_R, _FPS_C), 1)
    )
    lane_f = lane_i.astype(jnp.float32)

    def body(i, state):
        new_state = []
        for b in range(_B):
            distance, far_f, cent_f = state[3 * b], state[3 * b + 1], state[3 * b + 2]
            cent_f = jnp.where(lane_i == i, far_f, cent_f)
            oh = lane_f == far_f
            cx = jnp.sum(jnp.where(oh, xs[b], 0.0))
            cy = jnp.sum(jnp.where(oh, ys[b], 0.0))
            cz = jnp.sum(jnp.where(oh, zs[b], 0.0))
            dx = xs[b] - cx
            dy = ys[b] - cy
            dz = zs[b] - cz
            dist = (dx * dx + dy * dy) + dz * dz
            distance = jnp.minimum(distance, dist)
            m = jnp.max(distance)
            far_new = jnp.min(jnp.where(distance == m, lane_f, float(_S)))
            new_state += [distance, far_new, cent_f]
        return tuple(new_state)

    state = []
    for _ in range(_B):
        state += [
            jnp.full((_FPS_R, _FPS_C), 1e10, jnp.float32),
            jnp.float32(0.0),
            jnp.zeros((_FPS_R, _FPS_C), jnp.float32),
        ]
    state = jax.lax.fori_loop(0, _S, body, tuple(state))
    for b in range(_B):
        out_ref[b] = state[3 * b + 2].astype(jnp.int32)


def _fps(xyz):
    out = pl.pallas_call(
        _fps_body,
        out_shape=jax.ShapeDtypeStruct((_B, _FPS_R, _FPS_C), jnp.int32),
    )(xyz.reshape(_B, 3, _FPS_R, _FPS_C))
    return out.reshape(_B, _S)


def _fc_body(x_ref, w1_ref, b1_ref, w2_ref, b2_ref, out_ref):
    x = x_ref[0]
    h = jnp.maximum(jnp.dot(x.astype(jnp.bfloat16), w1_ref[...].astype(jnp.bfloat16), preferred_element_type=jnp.float32) + b1_ref[...], 0.0)
    out_ref[0] = jnp.dot(h.astype(jnp.bfloat16), w2_ref[...].astype(jnp.bfloat16), preferred_element_type=jnp.float32) + b2_ref[...]


def _fc_head(x, fc_w1, fc_b1, fc_w2, fc_b2):
    return pl.pallas_call(
        _fc_body,
        grid=(_B,),
        in_specs=[
            pl.BlockSpec((1, _S, _D), lambda b: (b, 0, 0)),
            pl.BlockSpec((_D, _D), lambda b: (0, 0)),
            pl.BlockSpec((1, _D), lambda b: (0, 0)),
            pl.BlockSpec((_D, 3), lambda b: (0, 0)),
            pl.BlockSpec((1, 3), lambda b: (0, 0)),
        ],
        out_specs=pl.BlockSpec((1, _S, 3), lambda b: (b, 0, 0)),
        out_shape=jax.ShapeDtypeStruct((_B, _S, 3), jnp.float32),
    )(x, jnp.transpose(fc_w1), fc_b1.reshape(1, _D),
      jnp.transpose(fc_w2), fc_b2.reshape(1, 3))


_FP_Q = 512


def _fp_body(q_ref, r_ref, p2_ref, out_ref):
    qc = q_ref[0]
    rt = r_ref[0]
    q_sq = (qc[0:1] * qc[0:1] + qc[1:2] * qc[1:2]) + qc[2:3] * qc[2:3]
    r_sq = jnp.sum(rt * rt, axis=1, keepdims=True)
    dT = (q_sq - 2.0 * jnp.dot(rt.astype(jnp.bfloat16), qc.astype(jnp.bfloat16), preferred_element_type=jnp.float32)) + r_sq
    linf = jax.lax.broadcasted_iota(jnp.int32, (_S, _FP_Q), 0).astype(jnp.float32)

    d = dT
    ms, iis = [], []
    for _ in range(3):
        m = jnp.min(d, axis=0, keepdims=True)
        i = jnp.min(jnp.where(d == m, linf, float(_S)), axis=0, keepdims=True)
        ms.append(m)
        iis.append(i)
        d = jnp.where((d == m) & (linf == i), jnp.float32(jnp.inf), d)

    rec = [1.0 / (m + 1e-8) for m in ms]
    norm = (rec[0] + rec[1]) + rec[2]
    wt = jnp.zeros((_S, _FP_Q), jnp.float32)
    for k in range(3):
        wt = jnp.where(linf == iis[k], rec[k] / norm, wt)
    out_ref[0] = jax.lax.dot(
        p2_ref[0], wt, precision=jax.lax.Precision.HIGHEST
    )


def _feature_propagation(pc1, pc4_t, flow_lr):
    return pl.pallas_call(
        _fp_body,
        grid=(_B, _NPOINT // _FP_Q),
        in_specs=[
            pl.BlockSpec((1, 3, _FP_Q), lambda b, i: (b, 0, i)),
            pl.BlockSpec((1, _S, 3), lambda b, i: (b, 0, 0)),
            pl.BlockSpec((1, 3, _S), lambda b, i: (b, 0, 0)),
        ],
        out_specs=pl.BlockSpec((1, 3, _FP_Q), lambda b, i: (b, 0, i)),
        out_shape=jax.ShapeDtypeStruct((_B, 3, _NPOINT), jnp.float32),
    )(pc1, pc4_t, flow_lr)


def _square_distance(src, dst):
    return (
        jnp.sum(src**2, -1)[:, :, None]
        - 2.0 * jnp.einsum("bnc,bmc->bnm", src, dst)
        + jnp.sum(dst**2, -1)[:, None, :]
    )


def _index_points(points, idx):
    return jax.vmap(lambda p, i: p[i])(points, idx)


def _instance_norm(x, eps=1e-5):
    m = jnp.mean(x, axis=(2, 3), keepdims=True)
    v = jnp.mean((x - m) ** 2, axis=(2, 3), keepdims=True)
    return (x - m) / jnp.sqrt(v + eps)


_SA_SB = 128


def _sa_prep_body(pts_ref, w1pt_ref, t_ref):
    t_ref[0] = jnp.dot(
        pts_ref[0].astype(jnp.bfloat16),
        w1pt_ref[...].astype(jnp.bfloat16),
        preferred_element_type=jnp.float32,
    )


def _sa_prep(pts, w1pt):
    return pl.pallas_call(
        _sa_prep_body,
        grid=(_B,),
        in_specs=[
            pl.BlockSpec((1, _S, _D), lambda b: (b, 0, 0)),
            pl.BlockSpec((_D, _D), lambda b: (0, 0)),
        ],
        out_specs=pl.BlockSpec((1, _S, _D), lambda b: (b, 0, 0)),
        out_shape=jax.ShapeDtypeStruct((_B, _S, _D), jnp.float32),
    )(pts, w1pt)


def _bfr(x):
    return x.astype(jnp.bfloat16).astype(jnp.float32)


def _sa_y1(y_ref, xg_ref, nx_ref, w1x_ref, b1_ref):
    dx = _bfr(xg_ref[0] - nx_ref[0][None]).reshape(_K * _SA_SB, 3)
    w1x = w1x_ref[...]
    u = (
        dx[:, 0:1] * w1x[0:1]
        + dx[:, 1:2] * w1x[1:2]
        + dx[:, 2:3] * w1x[2:3]
    )
    return (y_ref[0].reshape(_K * _SA_SB, _D) + u) + b1_ref[...]


def _sa_stats_body(y_ref, xg_ref, nx_ref, w1x_ref, b1_ref, out_ref,
                   acc_s, acc_ss):
    i = pl.program_id(1)
    ni = pl.num_programs(1)

    @pl.when(i == 0)
    def _():
        acc_s[...] = jnp.zeros_like(acc_s)
        acc_ss[...] = jnp.zeros_like(acc_ss)

    y = _sa_y1(y_ref, xg_ref, nx_ref, w1x_ref, b1_ref)
    acc_s[...] += jnp.sum(y, axis=0, keepdims=True)
    acc_ss[...] += jnp.sum(y * y, axis=0, keepdims=True)

    @pl.when(i == ni - 1)
    def _():
        n = jnp.float32(_K * _S)
        mean = acc_s[...] / n
        var = acc_ss[...] / n - mean * mean
        out_ref[0, 0:1] = mean
        out_ref[0, 1:2] = jnp.sqrt(var + 1e-5)


def _sa_stats(y, xg, nx, w1x, b1):
    return pl.pallas_call(
        _sa_stats_body,
        grid=(_B, _S // _SA_SB),
        in_specs=[
            pl.BlockSpec((1, _K, _SA_SB, _D), lambda b, i: (b, 0, i, 0)),
            pl.BlockSpec((1, _K, _SA_SB, 3), lambda b, i: (b, 0, i, 0)),
            pl.BlockSpec((1, _SA_SB, 3), lambda b, i: (b, i, 0)),
            pl.BlockSpec((3, _D), lambda b, i: (0, 0)),
            pl.BlockSpec((1, _D), lambda b, i: (0, 0)),
        ],
        out_specs=pl.BlockSpec((1, 2, _D), lambda b, i: (b, 0, 0)),
        out_shape=jax.ShapeDtypeStruct((_B, 2, _D), jnp.float32),
        scratch_shapes=[
            pltpu.VMEM((1, _D), jnp.float32),
            pltpu.VMEM((1, _D), jnp.float32),
        ],
    )(y, xg, nx, w1x, b1.reshape(1, _D))


def _sa_conv2_body(y_ref, xg_ref, nx_ref, w1x_ref, b1_ref, st_ref, w2t_ref,
                   b2_ref, z_ref, out_ref, acc_s, acc_ss):
    i = pl.program_id(1)
    ni = pl.num_programs(1)

    @pl.when(i == 0)
    def _():
        acc_s[...] = jnp.zeros_like(acc_s)
        acc_ss[...] = jnp.zeros_like(acc_ss)

    mean = st_ref[0, 0:1]
    sd = st_ref[0, 1:2]
    y = _sa_y1(y_ref, xg_ref, nx_ref, w1x_ref, b1_ref)
    r = jnp.maximum((y - mean) / sd, 0.0)
    z = jnp.dot(
        r.astype(jnp.bfloat16),
        w2t_ref[...].astype(jnp.bfloat16),
        preferred_element_type=jnp.float32,
    ) + b2_ref[...]
    z_ref[0] = z.reshape(_K, _SA_SB, _D)
    acc_s[...] += jnp.sum(z, axis=0, keepdims=True)
    acc_ss[...] += jnp.sum(z * z, axis=0, keepdims=True)

    @pl.when(i == ni - 1)
    def _():
        n = jnp.float32(_K * _S)
        m2 = acc_s[...] / n
        var = acc_ss[...] / n - m2 * m2
        out_ref[0, 0:1] = m2
        out_ref[0, 1:2] = jnp.sqrt(var + 1e-5)


def _sa_conv2(y, xg, nx, w1x, b1, st, w2t, b2):
    return pl.pallas_call(
        _sa_conv2_body,
        grid=(_B, _S // _SA_SB),
        in_specs=[
            pl.BlockSpec((1, _K, _SA_SB, _D), lambda b, i: (b, 0, i, 0)),
            pl.BlockSpec((1, _K, _SA_SB, 3), lambda b, i: (b, 0, i, 0)),
            pl.BlockSpec((1, _SA_SB, 3), lambda b, i: (b, i, 0)),
            pl.BlockSpec((3, _D), lambda b, i: (0, 0)),
            pl.BlockSpec((1, _D), lambda b, i: (0, 0)),
            pl.BlockSpec((1, 2, _D), lambda b, i: (b, 0, 0)),
            pl.BlockSpec((_D, _D), lambda b, i: (0, 0)),
            pl.BlockSpec((1, _D), lambda b, i: (0, 0)),
        ],
        out_specs=[
            pl.BlockSpec((1, _K, _SA_SB, _D), lambda b, i: (b, 0, i, 0)),
            pl.BlockSpec((1, 2, _D), lambda b, i: (b, 0, 0)),
        ],
        out_shape=[
            jax.ShapeDtypeStruct((_B, _K, _S, _D), jnp.float32),
            jax.ShapeDtypeStruct((_B, 2, _D), jnp.float32),
        ],
        scratch_shapes=[
            pltpu.VMEM((1, _D), jnp.float32),
            pltpu.VMEM((1, _D), jnp.float32),
        ],
    )(y, xg, nx, w1x, b1.reshape(1, _D), st, w2t, b2.reshape(1, _D))


def _sa_pool_body(z_ref, st_ref, out_ref):
    m2 = st_ref[0, 0:1]
    sd = st_ref[0, 1:2]
    z = jnp.maximum((z_ref[0] - m2[None]) / sd[None], 0.0)
    out_ref[0] = jnp.max(z, axis=0)


def _sa_pool(z, st):
    return pl.pallas_call(
        _sa_pool_body,
        grid=(_B, _S // _SA_SB),
        in_specs=[
            pl.BlockSpec((1, _K, _SA_SB, _D), lambda b, i: (b, 0, i, 0)),
            pl.BlockSpec((1, 2, _D), lambda b, i: (b, 0, 0)),
        ],
        out_specs=pl.BlockSpec((1, _SA_SB, _D), lambda b, i: (b, i, 0)),
        out_shape=jax.ShapeDtypeStruct((_B, _S, _D), jnp.float32),
    )(z, st)


def _sa(pts, xg, nx, idx_t, w1, b1, w2, b2):
    t = _sa_prep(pts, jnp.transpose(w1[:, 3:]))
    y = jax.vmap(lambda tb, ib: tb[ib])(t, idx_t)
    w1x = _bfr(jnp.transpose(w1[:, :3]))
    st1 = _sa_stats(y, xg, nx, w1x, b1)
    z, st2 = _sa_conv2(y, xg, nx, w1x, b1, st1, jnp.transpose(w2), b2)
    return _sa_pool(z, st2)


def _sa_xla(xyz_t, new_xyz, idx, pts_t, w1, b1, w2, b2):
    grouped_xyz = _index_points(xyz_t, idx)
    grouped_xyz_norm = grouped_xyz - new_xyz[:, :, None, :]
    grouped_pts = _index_points(pts_t, idx)
    new_points = jnp.concatenate([grouped_xyz_norm, grouped_pts], axis=-1)
    xx = jnp.transpose(new_points, (0, 3, 2, 1))
    xx = jax.nn.relu(
        _instance_norm(jnp.einsum("oc,bcsn->bosn", w1, xx) + b1[None, :, None, None])
    )
    xx = jax.nn.relu(
        _instance_norm(jnp.einsum("oc,bcsn->bosn", w2, xx) + b2[None, :, None, None])
    )
    return jnp.max(xx, axis=2)


def kernel(pc1_l_s1, pc1_l_s4, feats, sa1_w1, sa1_b1, sa1_w2, sa1_b2,
           sa2_w1, sa2_b1, sa2_w2, sa2_b2, fc_w1, fc_b1, fc_w2, fc_b2):
    xyz_t = jnp.transpose(pc1_l_s4, (0, 2, 1))

    fps_idx = _fps(pc1_l_s4)
    new_xyz = _index_points(xyz_t, fps_idx)
    sqrdists = _square_distance(new_xyz, xyz_t)
    _, idx = jax.lax.top_k(-sqrdists, _K)
    idx_t = jnp.transpose(idx, (0, 2, 1))

    x = _sa_xla(xyz_t, new_xyz, idx, jnp.transpose(feats, (0, 2, 1)),
                sa1_w1, sa1_b1, sa1_w2, sa1_b2)
    x = _sa_xla(xyz_t, new_xyz, idx, jnp.transpose(x, (0, 2, 1)),
                sa2_w1, sa2_b1, sa2_w2, sa2_b2)
    x = jnp.transpose(x, (0, 2, 1))

    flow_lr = jnp.transpose(
        _fc_head(x, fc_w1, fc_b1, fc_w2, fc_b2), (0, 2, 1)
    )
    flow = _feature_propagation(pc1_l_s1, xyz_t, flow_lr)
    return flow, flow_lr

# --- scband reference (transcript-rebuilt; emitter-appended) ---
"""Pipeline reference for scband-flow-regressor-55336358641937 (READ-ONLY COPY).

The authoritative reference and input builder live on the scoring server;
editing this copy changes nothing except your own understanding.
"""

import jax, jax.numpy as jnp
import numpy as np

B = 4
NPOINT = 8192
S = NPOINT // 4
NSAMPLE = 32
DIM = 128

def square_distance(src, dst):
    return jnp.sum(src ** 2, -1)[:, :, None] - 2.0 * jnp.einsum('bnc,bmc->bnm', src, dst) + jnp.sum(dst ** 2, -1)[:, None, :]

def index_points(points, idx):
    return jax.vmap(lambda p, i: p[i])(points, idx)

def farthest_point_sample(xyz, npoint):
    xyz = jax.lax.stop_gradient(xyz)
    Bn, N, _ = xyz.shape
    def body(i, state):
        distance, farthest, centroids = state
        centroids = centroids.at[:, i].set(farthest)
        centroid = jnp.take_along_axis(xyz, farthest[:, None, None], axis=1)
        dist = jnp.sum((xyz - centroid) ** 2, -1)
        distance = jnp.minimum(distance, dist)
        farthest = jnp.argmax(distance, -1).astype(jnp.int32)
        return (distance, farthest, centroids)
    state = (jnp.full((Bn, N), 1e10, jnp.float32), jnp.zeros((Bn,), jnp.int32), jnp.zeros((Bn, npoint), jnp.int32))
    return jax.lax.fori_loop(0, npoint, body, state)[2]

def instance_norm(x, eps=1e-5):
    m = jnp.mean(x, axis=(2, 3), keepdims=True)
    v = jnp.mean((x - m) ** 2, axis=(2, 3), keepdims=True)
    return (x - m) / jnp.sqrt(v + eps)

def set_abstraction(xyz, points, w1, b1, w2, b2, npoint, nsample):
    xyz_t = jnp.transpose(xyz, (0, 2, 1))
    pts_t = jnp.transpose(points, (0, 2, 1))
    fps_idx = farthest_point_sample(xyz_t, npoint)
    new_xyz = index_points(xyz_t, fps_idx)
    sqrdists = square_distance(new_xyz, xyz_t)
    _, idx = jax.lax.top_k(-sqrdists, nsample)
    grouped_xyz = index_points(xyz_t, idx)
    grouped_xyz_norm = grouped_xyz - new_xyz[:, :, None, :]
    grouped_pts = index_points(pts_t, idx)
    new_points = jnp.concatenate([grouped_xyz_norm, grouped_pts], axis=-1)
    x = jnp.transpose(new_points, (0, 3, 2, 1))
    x = jax.nn.relu(instance_norm(jnp.einsum('oc,bcsn->bosn', w1, x) + b1[None, :, None, None]))
    x = jax.nn.relu(instance_norm(jnp.einsum('oc,bcsn->bosn', w2, x) + b2[None, :, None, None]))
    new_points_out = jnp.max(x, axis=2)
    return jnp.transpose(new_xyz, (0, 2, 1)), new_points_out

def feature_propagation(xyz1, xyz2, points2):
    x1 = jnp.transpose(xyz1, (0, 2, 1))
    x2 = jnp.transpose(xyz2, (0, 2, 1))
    p2 = jnp.transpose(points2, (0, 2, 1))
    dists = square_distance(x1, x2)
    neg_d, idx = jax.lax.top_k(-dists, 3)
    d = -neg_d
    dist_recip = 1.0 / (d + 1e-8)
    norm = jnp.sum(dist_recip, axis=2, keepdims=True)
    weight = dist_recip / norm
    interp = jnp.sum(index_points(p2, idx) * weight[..., None], axis=2)
    return jnp.transpose(interp, (0, 2, 1))

def _forward(pc1_l_s1, pc1_l_s4, feats, sa1_w1, sa1_b1, sa1_w2, sa1_b2, sa2_w1, sa2_b1, sa2_w2, sa2_b2, fc_w1, fc_b1, fc_w2, fc_b2):
    _, x = set_abstraction(pc1_l_s4, feats, sa1_w1, sa1_b1, sa1_w2, sa1_b2, S, NSAMPLE)
    _, x = set_abstraction(pc1_l_s4, x, sa2_w1, sa2_b1, sa2_w2, sa2_b2, S, NSAMPLE)
    x = jnp.transpose(x, (0, 2, 1))
    x = jax.nn.relu(x @ fc_w1.T + fc_b1)
    x = x @ fc_w2.T + fc_b2
    flow_lr = jnp.transpose(x, (0, 2, 1))
    flow = feature_propagation(pc1_l_s1, pc1_l_s4, flow_lr)
    return flow, flow_lr

def setup_inputs(seed: int = 0):
    key = jax.random.key(seed)
    ks = jax.random.split(key, 16)
    d = {}
    d['pc1_l_s1'] = jax.random.normal(ks[0], (B, 3, NPOINT), jnp.float32)
    d['pc1_l_s4'] = jax.random.normal(ks[1], (B, 3, S), jnp.float32)
    d['feats'] = 0.1 * jax.random.normal(ks[2], (B, DIM, S), jnp.float32)
    d['sa1_w1'] = 0.05 * jax.random.normal(ks[3], (DIM, DIM + 3), jnp.float32)
    d['sa1_b1'] = jnp.zeros((DIM,), jnp.float32)
    d['sa1_w2'] = 0.05 * jax.random.normal(ks[4], (DIM, DIM), jnp.float32)
    d['sa1_b2'] = jnp.zeros((DIM,), jnp.float32)
    d['sa2_w1'] = 0.05 * jax.random.normal(ks[5], (DIM, DIM + 3), jnp.float32)
    d['sa2_b1'] = jnp.zeros((DIM,), jnp.float32)
    d['sa2_w2'] = 0.05 * jax.random.normal(ks[6], (DIM, DIM), jnp.float32)
    d['sa2_b2'] = jnp.zeros((DIM,), jnp.float32)
    d['fc_w1'] = 0.05 * jax.random.normal(ks[7], (DIM, DIM), jnp.float32)
    d['fc_b1'] = jnp.zeros((DIM,), jnp.float32)
    d['fc_w2'] = 0.05 * jax.random.normal(ks[8], (3, DIM), jnp.float32)
    d['fc_b2'] = jnp.zeros((3,), jnp.float32)
    return d

def reference(pc1_l_s1, pc1_l_s4, feats, sa1_w1, sa1_b1, sa1_w2, sa1_b2, sa2_w1, sa2_b1, sa2_w2, sa2_b2, fc_w1, fc_b1, fc_w2, fc_b2):
    return _forward(pc1_l_s1, pc1_l_s4, feats, sa1_w1, sa1_b1, sa1_w2, sa1_b2, sa2_w1, sa2_b1, sa2_w2, sa2_b2, fc_w1, fc_b1, fc_w2, fc_b2)

if __name__ == "__main__":
    import jax
    _d = setup_inputs()
    print(jax.jit(kernel)(*tuple(_d.values())))

</pallas_src>

<mosaic_0001>
module attributes {stable_mosaic.version = 14 : i64} {
  func.func @_fps_body(%arg0: memref<4x3x8x256xf32, #tpu.memory_space<vmem>>, %arg1: memref<4x8x256xi32, #tpu.memory_space<vmem>>) attributes {dimension_semantics = [], scalar_prefetch = 0 : i64, scratch_operands = 0 : i64, tpu.core_type = #tpu.core_type<tc>} {
    %get3A = arith.constant 0 : index
    %get3A_0 = arith.constant 0 : index
    %get3A_1 = arith.constant 0 : index
    %get3A_2 = arith.constant 0 : index
    %get3A_3 = vector.load %arg0[%get3A, %get3A_0, %get3A_1, %get3A_2] : memref<4x3x8x256xf32, #tpu.memory_space<vmem>>, vector<1x1x8x256xf32>
    %get3A_4 = vector.shape_cast %get3A_3 : vector<1x1x8x256xf32> to vector<8x256xf32>
    %get3A_5 = arith.constant 1 : index
    %get3A_6 = arith.constant 0 : index
    %get3A_7 = arith.constant 0 : index
    %get3A_8 = arith.constant 0 : index
    %get3A_9 = vector.load %arg0[%get3A_5, %get3A_6, %get3A_7, %get3A_8] : memref<4x3x8x256xf32, #tpu.memory_space<vmem>>, vector<1x1x8x256xf32>
    %get3A_10 = vector.shape_cast %get3A_9 : vector<1x1x8x256xf32> to vector<8x256xf32>
    %get3A_11 = arith.constant 2 : index
    %get3A_12 = arith.constant 0 : index
    %get3A_13 = arith.constant 0 : index
    %get3A_14 = arith.constant 0 : index
    %get3A_15 = vector.load %arg0[%get3A_11, %get3A_12, %get3A_13, %get3A_14] : memref<4x3x8x256xf32, #tpu.memory_space<vmem>>, vector<1x1x8x256xf32>
    %get3A_16 = vector.shape_cast %get3A_15 : vector<1x1x8x256xf32> to vector<8x256xf32>
    %get3A_17 = arith.constant 3 : index
    %get3A_18 = arith.constant 0 : index
    %get3A_19 = arith.constant 0 : index
    %get3A_20 = arith.constant 0 : index
    %get3A_21 = vector.load %arg0[%get3A_17, %get3A_18, %get3A_19, %get3A_20] : memref<4x3x8x256xf32, #tpu.memory_space<vmem>>, vector<1x1x8x256xf32>
    %get3A_22 = vector.shape_cast %get3A_21 : vector<1x1x8x256xf32> to vector<8x256xf32>
    %get3A_23 = arith.constant 0 : index
    %get3A_24 = arith.constant 1 : index
    %get3A_25 = arith.constant 0 : index
    %get3A_26 = arith.constant 0 : index
    %get3A_27 = vector.load %arg0[%get3A_23, %get3A_24, %get3A_25, %get3A_26] : memref<4x3x8x256xf32, #tpu.memory_space<vmem>>, vector<1x1x8x256xf32>
    %get3A_28 = vector.shape_cast %get3A_27 : vector<1x1x8x256xf32> to vector<8x256xf32>
    %get3A_29 = arith.constant 1 : index
    %get3A_30 = arith.constant 1 : index
    %get3A_31 = arith.constant 0 : index
    %get3A_32 = arith.constant 0 : index
    %get3A_33 = vector.load %arg0[%get3A_29, %get3A_30, %get3A_31, %get3A_32] : memref<4x3x8x256xf32, #tpu.memory_space<vmem>>, vector<1x1x8x256xf32>
    %get3A_34 = vector.shape_cast %get3A_33 : vector<1x1x8x256xf32> to vector<8x256xf32>
    %get3A_35 = arith.constant 2 : index
    %get3A_36 = arith.constant 1 : index
    %get3A_37 = arith.constant 0 : index
    %get3A_38 = arith.constant 0 : index
    %get3A_39 = vector.load %arg0[%get3A_35, %get3A_36, %get3A_37, %get3A_38] : memref<4x3x8x256xf32, #tpu.memory_space<vmem>>, vector<1x1x8x256xf32>
    %get3A_40 = vector.shape_cast %get3A_39 : vector<1x1x8x256xf32> to vector<8x256xf32>
    %get3A_41 = arith.constant 3 : index
    %get3A_42 = arith.constant 1 : index
    %get3A_43 = arith.constant 0 : index
    %get3A_44 = arith.constant 0 : index
    %get3A_45 = vector.load %arg0[%get3A_41, %get3A_42, %get3A_43, %get3A_44] : memref<4x3x8x256xf32, #tpu.memory_space<vmem>>, vector<1x1x8x256xf32>
    %get3A_46 = vector.shape_cast %get3A_45 : vector<1x1x8x256xf32> to vector<8x256xf32>
    %get3A_47 = arith.constant 0 : index
    %get3A_48 = arith.constant 2 : index
    %get3A_49 = arith.constant 0 : index
    %get3A_50 = arith.constant 0 : index
    %get3A_51 = vector.load %arg0[%get3A_47, %get3A_48, %get3A_49, %get3A_50] : memref<4x3x8x256xf32, #tpu.memory_space<vmem>>, vector<1x1x8x256xf32>
    %get3A_52 = vector.shape_cast %get3A_51 : vector<1x1x8x256xf32> to vector<8x256xf32>
    %get3A_53 = arith.constant 1 : index
    %get3A_54 = arith.constant 2 : index
    %get3A_55 = arith.constant 0 : index
    %get3A_56 = arith.constant 0 : index
    %get3A_57 = vector.load %arg0[%get3A_53, %get3A_54, %get3A_55, %get3A_56] : memref<4x3x8x256xf32, #tpu.memory_space<vmem>>, vector<1x1x8x256xf32>
    %get3A_58 = vector.shape_cast %get3A_57 : vector<1x1x8x256xf32> to vector<8x256xf32>
    %get3A_59 = arith.constant 2 : index
    %get3A_60 = arith.constant 2 : index
    %get3A_61 = arith.constant 0 : index
    %get3A_62 = arith.constant 0 : index
    %get3A_63 = vector.load %arg0[%get3A_59, %get3A_60, %get3A_61, %get3A_62] : memref<4x3x8x256xf32, #tpu.memory_space<vmem>>, vector<1x1x8x256xf32>
    %get3A_64 = vector.shape_cast %get3A_63 : vector<1x1x8x256xf32> to vector<8x256xf32>
    %get3A_65 = arith.constant 3 : index
    %get3A_66 = arith.constant 2 : index
    %get3A_67 = arith.constant 0 : index
    %get3A_68 = arith.constant 0 : index
    %get3A_69 = vector.load %arg0[%get3A_65, %get3A_66, %get3A_67, %get3A_68] : memref<4x3x8x256xf32, #tpu.memory_space<vmem>>, vector<1x1x8x256xf32>
    %get3A_70 = vector.shape_cast %get3A_69 : vector<1x1x8x256xf32> to vector<8x256xf32>
    %iota3A = tpu.iota {dimensions = array<i32: 0>} : vector<8x256xi32>
    %mul3A = arith.constant 256 : i32
    %mul3A_71 = vector.broadcast %mul3A : i32 to vector<8x256xi32>
    %mul3A_72 = arith.muli %iota3A, %mul3A_71 : vector<8x256xi32>
    %iota3A_73 = tpu.iota {dimensions = array<i32: 1>} : vector<8x256xi32>
    %add3A = arith.addi %mul3A_72, %iota3A_73 : vector<8x256xi32>
    %convert_element_type3A = arith.sitofp %add3A : vector<8x256xi32> to vector<8x256xf32>
    %broadcast_in_dim3A = arith.constant 1.000000e+10 : f32
    %broadcast_in_dim3A_74 = vector.broadcast %broadcast_in_dim3A : f32 to vector<8x256xf32>
    %broadcast_in_dim3A_75 = arith.constant 0.000000e+00 : f32
    %broadcast_in_dim3A_76 = vector.broadcast %broadcast_in_dim3A_75 : f32 to vector<8x256xf32>
    %broadcast_in_dim3A_77 = arith.constant 1.000000e+10 : f32
    %broadcast_in_dim3A_78 = vector.broadcast %broadcast_in_dim3A_77 : f32 to vector<8x256xf32>
    %broadcast_in_dim3A_79 = arith.constant 0.000000e+00 : f32
    %broadcast_in_dim3A_80 = vector.broadcast %broadcast_in_dim3A_79 : f32 to vector<8x256xf32>
    %broadcast_in_dim3A_81 = arith.constant 1.000000e+10 : f32
    %broadcast_in_dim3A_82 = vector.broadcast %broadcast_in_dim3A_81 : f32 to vector<8x256xf32>
    %broadcast_in_dim3A_83 = arith.constant 0.000000e+00 : f32
    %broadcast_in_dim3A_84 = vector.broadcast %broadcast_in_dim3A_83 : f32 to vector<8x256xf32>
    %broadcast_in_dim3A_85 = arith.constant 1.000000e+10 : f32
    %broadcast_in_dim3A_86 = vector.broadcast %broadcast_in_dim3A_85 : f32 to vector<8x256xf32>
    %broadcast_in_dim3A_87 = arith.constant 0.000000e+00 : f32
    %broadcast_in_dim3A_88 = vector.broadcast %broadcast_in_dim3A_87 : f32 to vector<8x256xf32>
    %scan3A = arith.constant 0.000000e+00 : f32
    %scan3A_89 = arith.constant 0.000000e+00 : f32
    %scan3A_90 = arith.constant 0.000000e+00 : f32
    %scan3A_91 = arith.constant 0.000000e+00 : f32
    %scan3A_92 = arith.constant 0 : i32
    %scan3A_93 = arith.constant 2048 : i32
    %scan3A_94 = arith.addi %scan3A_92, %scan3A_93 : i32
    %scan3A_95 = arith.constant 1 : i32
    %scan3A_96:12 = scf.for %scan3A_125 = %scan3A_92 to %scan3A_94 step %scan3A_95 iter_args(%scan3A_126 = %broadcast_in_dim3A_74, %scan3A_127 = %scan3A, %scan3A_128 = %broadcast_in_dim3A_76, %scan3A_129 = %broadcast_in_dim3A_78, %scan3A_130 = %scan3A_89, %scan3A_131 = %broadcast_in_dim3A_80, %scan3A_132 = %broadcast_in_dim3A_82, %scan3A_133 = %scan3A_90, %scan3A_134 = %broadcast_in_dim3A_84, %scan3A_135 = %broadcast_in_dim3A_86, %scan3A_136 = %scan3A_91, %scan3A_137 = %broadcast_in_dim3A_88) -> (vector<8x256xf32>, f32, vector<8x256xf32>, vector<8x256xf32>, f32, vector<8x256xf32>, vector<8x256xf32>, f32, vector<8x256xf32>, vector<8x256xf32>, f32, vector<8x256xf32>)  : i32 {
      %eq3A = vector.broadcast %scan3A_125 : i32 to vector<8x256xi32>
      %eq3A_138 = arith.cmpi eq, %add3A, %eq3A : vector<8x256xi32>
      %broadcast_in_dim3A_139 = vector.broadcast %scan3A_127 : f32 to vector<8x256xf32>
      %select_n3A = arith.select %eq3A_138, %broadcast_in_dim3A_139, %scan3A_128 : vector<8x256xi1>, vector<8x256xf32>
      %eq3A_140 = vector.broadcast %scan3A_127 : f32 to vector<8x256xf32>
      %eq3A_141 = arith.cmpf oeq, %convert_element_type3A, %eq3A_140 : vector<8x256xf32>
      %jit3A = arith.constant 0.000000e+00 : f32
      %broadcast_in_dim3A_142 = vector.broadcast %jit3A : f32 to vector<8x256xf32>
      %select_n3A_143 = arith.select %eq3A_141, %get3A_4, %broadcast_in_dim3A_142 : vector<8x256xi1>, vector<8x256xf32>
      %reduce_sum3A = vector.shape_cast %select_n3A_143 : vector<8x256xf32> to vector<1x8x256xf32>
      %reduce_sum3A_144 = arith.constant dense<0.000000e+00> : vector<1xf32>
      %reduce_sum3A_145 = vector.multi_reduction <add>, %reduce_sum3A, %reduce_sum3A_144 [1, 2] : vector<1x8x256xf32> to vector<1xf32>
      %reduce_sum3A_146 = vector.shape_cast %reduce_sum3A_145 : vector<1xf32> to vector<1x1x1xf32>
      %reduce_sum3A_147 = vector.extract %reduce_sum3A_146[0, 0, 0] : f32 from vector<1x1x1xf32>
      %jit3A_148 = arith.constant 0.000000e+00 : f32
      %broadcast_in_dim3A_149 = vector.broadcast %jit3A_148 : f32 to vector<8x256xf32>
      %select_n3A_150 = arith.select %eq3A_141, %get3A_28, %broadcast_in_dim3A_149 : vector<8x256xi1>, vector<8x256xf32>
      %reduce_sum3A_151 = vector.shape_cast %select_n3A_150 : vector<8x256xf32> to vector<1x8x256xf32>
      %reduce_sum3A_152 = arith.constant dense<0.000000e+00> : vector<1xf32>
      %reduce_sum3A_153 = vector.multi_reduction <add>, %reduce_sum3A_151, %reduce_sum3A_152 [1, 2] : vector<1x8x256xf32> to vector<1xf32>
      %reduce_sum3A_154 = vector.shape_cast %reduce_sum3A_153 : vector<1xf32> to vector<1x1x1xf32>
      %reduce_sum3A_155 = vector.extract %reduce_sum3A_154[0, 0, 0] : f32 from vector<1x1x1xf32>
      %jit3A_156 = arith.constant 0.000000e+00 : f32
      %broadcast_in_dim3A_157 = vector.broadcast %jit3A_156 : f32 to vector<8x256xf32>
      %select_n3A_158 = arith.select %eq3A_141, %get3A_52, %broadcast_in_dim3A_157 : vector<8x256xi1>, vector<8x256xf32>
      %reduce_sum3A_159 = vector.shape_cast %select_n3A_158 : vector<8x256xf32> to vector<1x8x256xf32>
      %reduce_sum3A_160 = arith.constant dense<0.000000e+00> : vector<1xf32>
      %reduce_sum3A_161 = vector.multi_reduction <add>, %reduce_sum3A_159, %reduce_sum3A_160 [1, 2] : vector<1x8x256xf32> to vector<1xf32>
      %reduce_sum3A_162 = vector.shape_cast %reduce_sum3A_161 : vector<1xf32> to vector<1x1x1xf32>
      %reduce_sum3A_163 = vector.extract %reduce_sum3A_162[0, 0, 0] : f32 from vector<1x1x1xf32>
      %sub3A = vector.broadcast %reduce_sum3A_147 : f32 to vector<8x256xf32>
      %sub3A_164 = arith.subf %get3A_4, %sub3A : vector<8x256xf32>
      %sub3A_165 = vector.broadcast %reduce_sum3A_155 : f32 to vector<8x256xf32>
      %sub3A_166 = arith.subf %get3A_28, %sub3A_165 : vector<8x256xf32>
      %sub3A_167 = vector.broadcast %reduce_sum3A_163 : f32 to vector<8x256xf32>
      %sub3A_168 = arith.subf %get3A_52, %sub3A_167 : vector<8x256xf32>
      %mul3A_169 = arith.mulf %sub3A_164, %sub3A_164 : vector<8x256xf32>
      %mul3A_170 = arith.mulf %sub3A_166, %sub3A_166 : vector<8x256xf32>
      %add3A_171 = arith.addf %mul3A_169, %mul3A_170 : vector<8x256xf32>
      %mul3A_172 = arith.mulf %sub3A_168, %sub3A_168 : vector<8x256xf32>
      %add3A_173 = arith.addf %add3A_171, %mul3A_172 : vector<8x256xf32>
      %min3A = arith.minimumf %scan3A_126, %add3A_173 : vector<8x256xf32>
      %reduce_max3A = vector.shape_cast %min3A : vector<8x256xf32> to vector<1x8x256xf32>
      %reduce_max3A_174 = arith.constant dense<0xFF800000> : vector<1xf32>
      %reduce_max3A_175 = vector.multi_reduction <maximumf>, %reduce_max3A, %reduce_max3A_174 [1, 2] : vector<1x8x256xf32> to vector<1xf32>
      %reduce_max3A_176 = vector.shape_cast %reduce_max3A_175 : vector<1xf32> to vector<1x1x1xf32>
      %reduce_max3A_177 = vector.extract %reduce_max3A_176[0, 0, 0] : f32 from vector<1x1x1xf32>
      %eq3A_178 = vector.broadcast %reduce_max3A_177 : f32 to vector<8x256xf32>
      %eq3A_179 = arith.cmpf oeq, %min3A, %eq3A_178 : vector<8x256xf32>
      %jit3A_180 = arith.constant 2.048000e+03 : f32
      %broadcast_in_dim3A_181 = vector.broadcast %jit3A_180 : f32 to vector<8x256xf32>
      %select_n3A_182 = arith.select %eq3A_179, %convert_element_type3A, %broadcast_in_dim3A_181 : vector<8x256xi1>, vector<8x256xf32>
      %reduce_min3A = vector.shape_cast %select_n3A_182 : vector<8x256xf32> to vector<1x8x256xf32>
      %reduce_min3A_183 = arith.constant dense<0x7F800000> : vector<1xf32>
      %reduce_min3A_184 = vector.multi_reduction <minimumf>, %reduce_min3A, %reduce_min3A_183 [1, 2] : vector<1x8x256xf32> to vector<1xf32>
      %reduce_min3A_185 = vector.shape_cast %reduce_min3A_184 : vector<1xf32> to vector<1x1x1xf32>
      %reduce_min3A_186 = vector.extract %reduce_min3A_185[0, 0, 0] : f32 from vector<1x1x1xf32>
      %eq3A_187 = vector.broadcast %scan3A_125 : i32 to vector<8x256xi32>
      %eq3A_188 = arith.cmpi eq, %add3A, %eq3A_187 : vector<8x256xi32>
      %broadcast_in_dim3A_189 = vector.broadcast %scan3A_130 : f32 to vector<8x256xf32>
      %select_n3A_190 = arith.select %eq3A_188, %broadcast_in_dim3A_189, %scan3A_131 : vector<8x256xi1>, vector<8x256xf32>
      %eq3A_191 = vector.broadcast %scan3A_130 : f32 to vector<8x256xf32>
      %eq3A_192 = arith.cmpf oeq, %convert_element_type3A, %eq3A_191 : vector<8x256xf32>
      %jit3A_193 = arith.constant 0.000000e+00 : f32
      %broadcast_in_dim3A_194 = vector.broadcast %jit3A_193 : f32 to vector<8x256xf32>
      %select_n3A_195 = arith.select %eq3A_192, %get3A_10, %broadcast_in_dim3A_194 : vector<8x256xi1>, vector<8x256xf32>
      %reduce_sum3A_196 = vector.shape_cast %select_n3A_195 : vector<8x256xf32> to vector<1x8x256xf32>
      %reduce_sum3A_197 = arith.constant dense<0.000000e+00> : vector<1xf32>
      %reduce_sum3A_198 = vector.multi_reduction <add>, %reduce_sum3A_196, %reduce_sum3A_197 [1, 2] : vector<1x8x256xf32> to vector<1xf32>
      %reduce_sum3A_199 = vector.shape_cast %reduce_sum3A_198 : vector<1xf32> to vector<1x1x1xf32>
      %reduce_sum3A_200 = vector.extract %reduce_sum3A_199[0, 0, 0] : f32 from vector<1x1x1xf32>
      %jit3A_201 = arith.constant 0.000000e+00 : f32
      %broadcast_in_dim3A_202 = vector.broadcast %jit3A_201 : f32 to vector<8x256xf32>
      %select_n3A_203 = arith.select %eq3A_192, %get3A_34, %broadcast_in_dim3A_202 : vector<8x256xi1>, vector<8x256xf32>
      %reduce_sum3A_204 = vector.shape_cast %select_n3A_203 : vector<8x256xf32> to vector<1x8x256xf32>
      %reduce_sum3A_205 = arith.constant dense<0.000000e+00> : vector<1xf32>
      %reduce_sum3A_206 = vector.multi_reduction <add>, %reduce_sum3A_204, %reduce_sum3A_205 [1, 2] : vector<1x8x256xf32> to vector<1xf32>
      %reduce_sum3A_207 = vector.shape_cast %reduce_sum3A_206 : vector<1xf32> to vector<1x1x1xf32>
      %reduce_sum3A_208 = vector.extract %reduce_sum3A_207[0, 0, 0] : f32 from vector<1x1x1xf32>
      %jit3A_209 = arith.constant 0.000000e+00 : f32
      %broadcast_in_dim3A_210 = vector.broadcast %jit3A_209 : f32 to vector<8x256xf32>
      %select_n3A_211 = arith.select %eq3A_192, %get3A_58, %broadcast_in_dim3A_210 : vector<8x256xi1>, vector<8x256xf32>
      %reduce_sum3A_212 = vector.shape_cast %select_n3A_211 : vector<8x256xf32> to vector<1x8x256xf32>
      %reduce_sum3A_213 = arith.constant dense<0.000000e+00> : vector<1xf32>
      %reduce_sum3A_214 = vector.multi_reduction <add>, %reduce_sum3A_212, %reduce_sum3A_213 [1, 2] : vector<1x8x256xf32> to vector<1xf32>
      %reduce_sum3A_215 = vector.shape_cast %reduce_sum3A_214 : vector<1xf32> to vector<1x1x1xf32>
      %reduce_sum3A_216 = vector.extract %reduce_sum3A_215[0, 0, 0] : f32 from vector<1x1x1xf32>
      %sub3A_217 = vector.broadcast %reduce_sum3A_200 : f32 to vector<8x256xf32>
      %sub3A_218 = arith.subf %get3A_10, %sub3A_217 : vector<8x256xf32>
      %sub3A_219 = vector.broadcast %reduce_sum3A_208 : f32 to vector<8x256xf32>
      %sub3A_220 = arith.subf %get3A_34, %sub3A_219 : vector<8x256xf32>
      %sub3A_221 = vector.broadcast %reduce_sum3A_216 : f32 to vector<8x256xf32>
      %sub3A_222 = arith.subf %get3A_58, %sub3A_221 : vector<8x256xf32>
      %mul3A_223 = arith.mulf %sub3A_218, %sub3A_218 : vector<8x256xf32>
      %mul3A_224 = arith.mulf %sub3A_220, %sub3A_220 : vector<8x256xf32>
      %add3A_225 = arith.addf %mul3A_223, %mul3A_224 : vector<8x256xf32>
      %mul3A_226 = arith.mulf %sub3A_222, %sub3A_222 : vector<8x256xf32>
      %add3A_227 = arith.addf %add3A_225, %mul3A_226 : vector<8x256xf32>
      %min3A_228 = arith.minimumf %scan3A_129, %add3A_227 : vector<8x256xf32>
      %reduce_max3A_229 = vector.shape_cast %min3A_228 : vector<8x256xf32> to vector<1x8x256xf32>
      %reduce_max3A_230 = arith.constant dense<0xFF800000> : vector<1xf32>
      %reduce_max3A_231 = vector.multi_reduction <maximumf>, %reduce_max3A_229, %reduce_max3A_230 [1, 2] : vector<1x8x256xf32> to vector<1xf32>
      %reduce_max3A_232 = vector.shape_cast %reduce_max3A_231 : vector<1xf32> to vector<1x1x1xf32>
      %reduce_max3A_233 = vector.extract %reduce_max3A_232[0, 0, 0] : f32 from vector<1x1x1xf32>
      %eq3A_234 = vector.broadcast %reduce_max3A_233 : f32 to vector<8x256xf32>
      %eq3A_235 = arith.cmpf oeq, %min3A_228, %eq3A_234 : vector<8x256xf32>
      %jit3A_236 = arith.constant 2.048000e+03 : f32
      %broadcast_in_dim3A_237 = vector.broadcast %jit3A_236 : f32 to vector<8x256xf32>
      %select_n3A_238 = arith.select %eq3A_235, %convert_element_type3A, %broadcast_in_dim3A_237 : vector<8x256xi1>, vector<8x256xf32>
      %reduce_min3A_239 = vector.shape_cast %select_n3A_238 : vector<8x256xf32> to vector<1x8x256xf32>
      %reduce_min3A_240 = arith.constant dense<0x7F800000> : vector<1xf32>
      %reduce_min3A_241 = vector.multi_reduction <minimumf>, %reduce_min3A_239, %reduce_min3A_240 [1, 2] : vector<1x8x256xf32> to vector<1xf32>
      %reduce_min3A_242 = vector.shape_cast %reduce_min3A_241 : vector<1xf32> to vector<1x1x1xf32>
      %reduce_min3A_243 = vector.extract %reduce_min3A_242[0, 0, 0] : f32 from vector<1x1x1xf32>
      %eq3A_244 = vector.broadcast %scan3A_125 : i32 to vector<8x256xi32>
      %eq3A_245 = arith.cmpi eq, %add3A, %eq3A_244 : vector<8x256xi32>
      %broadcast_in_dim3A_246 = vector.broadcast %scan3A_133 : f32 to vector<8x256xf32>
      %select_n3A_247 = arith.select %eq3A_245, %broadcast_in_dim3A_246, %scan3A_134 : vector<8x256xi1>, vector<8x256xf32>
      %eq3A_248 = vector.broadcast %scan3A_133 : f32 to vector<8x256xf32>
      %eq3A_249 = arith.cmpf oeq, %convert_element_type3A, %eq3A_248 : vector<8x256xf32>
      %jit3A_250 = arith.constant 0.000000e+00 : f32
      %broadcast_in_dim3A_251 = vector.broadcast %jit3A_250 : f32 to vector<8x256xf32>
      %select_n3A_252 = arith.select %eq3A_249, %get3A_16, %broadcast_in_dim3A_251 : vector<8x256xi1>, vector<8x256xf32>
      %reduce_sum3A_253 = vector.shape_cast %select_n3A_252 : vector<8x256xf32> to vector<1x8x256xf32>
      %reduce_sum3A_254 = arith.constant dense<0.000000e+00> : vector<1xf32>
      %reduce_sum3A_255 = vector.multi_reduction <add>, %reduce_sum3A_253, %reduce_sum3A_254 [1, 2] : vector<1x8x256xf32> to vector<1xf32>
      %reduce_sum3A_256 = vector.shape_cast %reduce_sum3A_255 : vector<1xf32> to vector<1x1x1xf32>
      %reduce_sum3A_257 = vector.extract %reduce_sum3A_256[0, 0, 0] : f32 from vector<1x1x1xf32>
      %jit3A_258 = arith.constant 0.000000e+00 : f32
      %broadcast_in_dim3A_259 = vector.broadcast %jit3A_258 : f32 to vector<8x256xf32>
      %select_n3A_260 = arith.select %eq3A_249, %get3A_40, %broadcast_in_dim3A_259 : vector<8x256xi1>, vector<8x256xf32>
      %reduce_sum3A_261 = vector.shape_cast %select_n3A_260 : vector<8x256xf32> to vector<1x8x256xf32>
      %reduce_sum3A_262 = arith.constant dense<0.000000e+00> : vector<1xf32>
      %reduce_sum3A_263 = vector.multi_reduction <add>, %reduce_sum3A_261, %reduce_sum3A_262 [1, 2] : vector<1x8x256xf32> to vector<1xf32>
      %reduce_sum3A_264 = vector.shape_cast %reduce_sum3A_263 : vector<1xf32> to vector<1x1x1xf32>
      %reduce_sum3A_265 = vector.extract %reduce_sum3A_264[0, 0, 0] : f32 from vector<1x1x1xf32>
      %jit3A_266 = arith.constant 0.000000e+00 : f32
      %broadcast_in_dim3A_267 = vector.broadcast %jit3A_266 : f32 to vector<8x256xf32>
      %select_n3A_268 = arith.select %eq3A_249, %get3A_64, %broadcast_in_dim3A_267 : vector<8x256xi1>, vector<8x256xf32>
      %reduce_sum3A_269 = vector.shape_cast %select_n3A_268 : vector<8x256xf32> to vector<1x8x256xf32>
      %reduce_sum3A_270 = arith.constant dense<0.000000e+00> : vector<1xf32>
      %reduce_sum3A_271 = vector.multi_reduction <add>, %reduce_sum3A_269, %reduce_sum3A_270 [1, 2] : vector<1x8x256xf32> to vector<1xf32>
      %reduce_sum3A_272 = vector.shape_cast %reduce_sum3A_271 : vector<1xf32> to vector<1x1x1xf32>
      %reduce_sum3A_273 = vector.extract %reduce_sum3A_272[0, 0, 0] : f32 from vector<1x1x1xf32>
      %sub3A_274 = vector.broadcast %reduce_sum3A_257 : f32 to vector<8x256xf32>
      %sub3A_275 = arith.subf %get3A_16, %sub3A_274 : vector<8x256xf32>
      %sub3A_276 = vector.broadcast %reduce_sum3A_265 : f32 to vector<8x256xf32>
      %sub3A_277 = arith.subf %get3A_40, %sub3A_276 : vector<8x256xf32>
      %sub3A_278 = vector.broadcast %reduce_sum3A_273 : f32 to vector<8x256xf32>
      %sub3A_279 = arith.subf %get3A_64, %sub3A_278 : vector<8x256xf32>
      %mul3A_280 = arith.mulf %sub3A_275, %sub3A_275 : vector<8x256xf32>
      %mul3A_281 = arith.mulf %sub3A_277, %sub3A_277 : vector<8x256xf32>
      %add3A_282 = arith.addf %mul3A_280, %mul3A_281 : vector<8x256xf32>
      %mul3A_283 = arith.mulf %sub3A_279, %sub3A_279 : vector<8x256xf32>
      %add3A_284 = arith.addf %add3A_282, %mul3A_283 : vector<8x256xf32>
      %min3A_285 = arith.minimumf %scan3A_132, %add3A_284 : vector<8x256xf32>
      %reduce_max3A_286 = vector.shape_cast %min3A_285 : vector<8x256xf32> to vector<1x8x256xf32>
      %reduce_max3A_287 = arith.constant dense<0xFF800000> : vector<1xf32>
      %reduce_max3A_288 = vector.multi_reduction <maximumf>, %reduce_max3A_286, %reduce_max3A_287 [1, 2] : vector<1x8x256xf32> to vector<1xf32>
      %reduce_max3A_289 = vector.shape_cast %reduce_max3A_288 : vector<1xf32> to vector<1x1x1xf32>
      %reduce_max3A_290 = vector.extract %reduce_max3A_289[0, 0, 0] : f32 from vector<1x1x1xf32>
      %eq3A_291 = vector.broadcast %reduce_max3A_290 : f32 to vector<8x256xf32>
      %eq3A_292 = arith.cmpf oeq, %min3A_285, %eq3A_291 : vector<8x256xf32>
      %jit3A_293 = arith.constant 2.048000e+03 : f32
      %broadcast_in_dim3A_294 = vector.broadcast %jit3A_293 : f32 to vector<8x256xf32>
      %select_n3A_295 = arith.select %eq3A_292, %convert_element_type3A, %broadcast_in_dim3A_294 : vector<8x256xi1>, vector<8x256xf32>
      %reduce_min3A_296 = vector.shape_cast %select_n3A_295 : vector<8x256xf32> to vector<1x8x256xf32>
      %reduce_min3A_297 = arith.constant dense<0x7F800000> : vector<1xf32>
      %reduce_min3A_298 = vector.multi_reduction <minimumf>, %reduce_min3A_296, %reduce_min3A_297 [1, 2] : vector<1x8x256xf32> to vector<1xf32>
      %reduce_min3A_299 = vector.shape_cast %reduce_min3A_298 : vector<1xf32> to vector<1x1x1xf32>
      %reduce_min3A_300 = vector.extract %reduce_min3A_299[0, 0, 0] : f32 from vector<1x1x1xf32>
      %eq3A_301 = vector.broadcast %scan3A_125 : i32 to vector<8x256xi32>
      %eq3A_302 = arith.cmpi eq, %add3A, %eq3A_301 : vector<8x256xi32>
      %broadcast_in_dim3A_303 = vector.broadcast %scan3A_136 : f32 to vector<8x256xf32>
      %select_n3A_304 = arith.select %eq3A_302, %broadcast_in_dim3A_303, %scan3A_137 : vector<8x256xi1>, vector<8x256xf32>
      %eq3A_305 = vector.broadcast %scan3A_136 : f32 to vector<8x256xf32>
      %eq3A_306 = arith.cmpf oeq, %convert_element_type3A, %eq3A_305 : vector<8x256xf32>
      %jit3A_307 = arith.constant 0.000000e+00 : f32
      %broadcast_in_dim3A_308 = vector.broadcast %jit3A_307 : f32 to vector<8x256xf32>
      %select_n3A_309 = arith.select %eq3A_306, %get3A_22, %broadcast_in_dim3A_308 : vector<8x256xi1>, vector<8x256xf32>
      %reduce_sum3A_310 = vector.shape_cast %select_n3A_309 : vector<8x256xf32> to vector<1x8x256xf32>
      %reduce_sum3A_311 = arith.constant dense<0.000000e+00> : vector<1xf32>
      %reduce_sum3A_312 = vector.multi_reduction <add>, %reduce_sum3A_310, %reduce_sum3A_311 [1, 2] : vector<1x8x256xf32> to vector<1xf32>
      %reduce_sum3A_313 = vector.shape_cast %reduce_sum3A_312 : vector<1xf32> to vector<1x1x1xf32>
      %reduce_sum3A_314 = vector.extract %reduce_sum3A_313[0, 0, 0] : f32 from vector<1x1x1xf32>
      %jit3A_315 = arith.constant 0.000000e+00 : f32
      %broadcast_in_dim3A_316 = vector.broadcast %jit3A_315 : f32 to vector<8x256xf32>
      %select_n3A_317 = arith.select %eq3A_306, %get3A_46, %broadcast_in_dim3A_316 : vector<8x256xi1>, vector<8x256xf32>
      %reduce_sum3A_318 = vector.shape_cast %select_n3A_317 : vector<8x256xf32> to vector<1x8x256xf32>
      %reduce_sum3A_319 = arith.constant dense<0.000000e+00> : vector<1xf32>
      %reduce_sum3A_320 = vector.multi_reduction <add>, %reduce_sum3A_318, %reduce_sum3A_319 [1, 2] : vector<1x8x256xf32> to vector<1xf32>
      %reduce_sum3A_321 = vector.shape_cast %reduce_sum3A_320 : vector<1xf32> to vector<1x1x1xf32>
      %reduce_sum3A_322 = vector.extract %reduce_sum3A_321[0, 0, 0] : f32 from vector<1x1x1xf32>
      %jit3A_323 = arith.constant 0.000000e+00 : f32
      %broadcast_in_dim3A_324 = vector.broadcast %jit3A_323 : f32 to vector<8x256xf32>
      %select_n3A_325 = arith.select %eq3A_306, %get3A_70, %broadcast_in_dim3A_324 : vector<8x256xi1>, vector<8x256xf32>
      %reduce_sum3A_326 = vector.shape_cast %select_n3A_325 : vector<8x256xf32> to vector<1x8x256xf32>
      %reduce_sum3A_327 = arith.constant dense<0.000000e+00> : vector<1xf32>
      %reduce_sum3A_328 = vector.multi_reduction <add>, %reduce_sum3A_326, %reduce_sum3A_327 [1, 2] : vector<1x8x256xf32> to vector<1xf32>
      %reduce_sum3A_329 = vector.shape_cast %reduce_sum3A_328 : vector<1xf32> to vector<1x1x1xf32>
      %reduce_sum3A_330 = vector.extract %reduce_sum3A_329[0, 0, 0] : f32 from vector<1x1x1xf32>
      %sub3A_331 = vector.broadcast %reduce_sum3A_314 : f32 to vector<8x256xf32>
      %sub3A_332 = arith.subf %get3A_22, %sub3A_331 : vector<8x256xf32>
      %sub3A_333 = vector.broadcast %reduce_sum3A_322 : f32 to vector<8x256xf32>
      %sub3A_334 = arith.subf %get3A_46, %sub3A_333 : vector<8x256xf32>
      %sub3A_335 = vector.broadcast %reduce_sum3A_330 : f32 to vector<8x256xf32>
      %sub3A_336 = arith.subf %get3A_70, %sub3A_335 : vector<8x256xf32>
      %mul3A_337 = arith.mulf %sub3A_332, %sub3A_332 : vector<8x256xf32>
      %mul3A_338 = arith.mulf %sub3A_334, %sub3A_334 : vector<8x256xf32>
      %add3A_339 = arith.addf %mul3A_337, %mul3A_338 : vector<8x256xf32>
      %mul3A_340 = arith.mulf %sub3A_336, %sub3A_336 : vector<8x256xf32>
      %add3A_341 = arith.addf %add3A_339, %mul3A_340 : vector<8x256xf32>
      %min3A_342 = arith.minimumf %scan3A_135, %add3A_341 : vector<8x256xf32>
      %reduce_max3A_343 = vector.shape_cast %min3A_342 : vector<8x256xf32> to vector<1x8x256xf32>
      %reduce_max3A_344 = arith.constant dense<0xFF800000> : vector<1xf32>
      %reduce_max3A_345 = vector.multi_reduction <maximumf>, %reduce_max3A_343, %reduce_max3A_344 [1, 2] : vector<1x8x256xf32> to vector<1xf32>
      %reduce_max3A_346 = vector.shape_cast %reduce_max3A_345 : vector<1xf32> to vector<1x1x1xf32>
      %reduce_max3A_347 = vector.extract %reduce_max3A_346[0, 0, 0] : f32 from vector<1x1x1xf32>
      %eq3A_348 = vector.broadcast %reduce_max3A_347 : f32 to vector<8x256xf32>
      %eq3A_349 = arith.cmpf oeq, %min3A_342, %eq3A_348 : vector<8x256xf32>
      %jit3A_350 = arith.constant 2.048000e+03 : f32
      %broadcast_in_dim3A_351 = vector.broadcast %jit3A_350 : f32 to vector<8x256xf32>
      %select_n3A_352 = arith.select %eq3A_349, %convert_element_type3A, %broadcast_in_dim3A_351 : vector<8x256xi1>, vector<8x256xf32>
      %reduce_min3A_353 = vector.shape_cast %select_n3A_352 : vector<8x256xf32> to vector<1x8x256xf32>
      %reduce_min3A_354 = arith.constant dense<0x7F800000> : vector<1xf32>
      %reduce_min3A_355 = vector.multi_reduction <minimumf>, %reduce_min3A_353, %reduce_min3A_354 [1, 2] : vector<1x8x256xf32> to vector<1xf32>
      %reduce_min3A_356 = vector.shape_cast %reduce_min3A_355 : vector<1xf32> to vector<1x1x1xf32>
      %reduce_min3A_357 = vector.extract %reduce_min3A_356[0, 0, 0] : f32 from vector<1x1x1xf32>
      scf.yield %min3A, %reduce_min3A_186, %select_n3A, %min3A_228, %reduce_min3A_243, %select_n3A_190, %min3A_285, %reduce_min3A_300, %select_n3A_247, %min3A_342, %reduce_min3A_357, %select_n3A_304 : vector<8x256xf32>, f32, vector<8x256xf32>, vector<8x256xf32>, f32, vector<8x256xf32>, vector<8x256xf32>, f32, vector<8x256xf32>, vector<8x256xf32>, f32, vector<8x256xf32>
    }
    %scan3A_97 = arith.constant 2048 : i32
    %convert_element_type3A_98 = arith.fptosi %scan3A_96#2 : vector<8x256xf32> to vector<8x256xi32>
    %swap3A = arith.constant 0 : index
    %swap3A_99 = arith.constant 0 : index
    %swap3A_100 = arith.constant 0 : index
    %swap3A_101 = vector.load %arg1[%swap3A, %swap3A_99, %swap3A_100] : memref<4x8x256xi32, #tpu.memory_space<vmem>>, vector<1x8x256xi32>
    %swap3A_102 = vector.shape_cast %swap3A_101 : vector<1x8x256xi32> to vector<8x256xi32>
    %swap3A_103 = vector.shape_cast %convert_element_type3A_98 : vector<8x256xi32> to vector<1x8x256xi32>
    tpu.vector_store %arg1[%swap3A, %swap3A_99, %swap3A_100], %swap3A_103 {strides = array<i32>} : memref<4x8x256xi32, #tpu.memory_space<vmem>>, vector<1x8x256xi32>,
    %convert_element_type3A_104 = arith.fptosi %scan3A_96#5 : vector<8x256xf32> to vector<8x256xi32>
    %swap3A_105 = arith.constant 1 : index
    %swap3A_106 = arith.constant 0 : index
    %swap3A_107 = arith.constant 0 : index
    %swap3A_108 = vector.load %arg1[%swap3A_105, %swap3A_106, %swap3A_107] : memref<4x8x256xi32, #tpu.memory_space<vmem>>, vector<1x8x256xi32>
    %swap3A_109 = vector.shape_cast %swap3A_108 : vector<1x8x256xi32> to vector<8x256xi32>
    %swap3A_110 = vector.shape_cast %convert_element_type3A_104 : vector<8x256xi32> to vector<1x8x256xi32>
    tpu.vector_store %arg1[%swap3A_105, %swap3A_106, %swap3A_107], %swap3A_110 {strides = array<i32>} : memref<4x8x256xi32, #tpu.memory_space<vmem>>, vector<1x8x256xi32>,
    %convert_element_type3A_111 = arith.fptosi %scan3A_96#8 : vector<8x256xf32> to vector<8x256xi32>
    %swap3A_112 = arith.constant 2 : index
    %swap3A_113 = arith.constant 0 : index
    %swap3A_114 = arith.constant 0 : index
    %swap3A_115 = vector.load %arg1[%swap3A_112, %swap3A_113, %swap3A_114] : memref<4x8x256xi32, #tpu.memory_space<vmem>>, vector<1x8x256xi32>
    %swap3A_116 = vector.shape_cast %swap3A_115 : vector<1x8x256xi32> to vector<8x256xi32>
    %swap3A_117 = vector.shape_cast %convert_element_type3A_111 : vector<8x256xi32> to vector<1x8x256xi32>
    tpu.vector_store %arg1[%swap3A_112, %swap3A_113, %swap3A_114], %swap3A_117 {strides = array<i32>} : memref<4x8x256xi32, #tpu.memory_space<vmem>>, vector<1x8x256xi32>,
    %convert_element_type3A_118 = arith.fptosi %scan3A_96#11 : vector<8x256xf32> to vector<8x256xi32>
    %swap3A_119 = arith.constant 3 : index
    %swap3A_120 = arith.constant 0 : index
    %swap3A_121 = arith.constant 0 : index
    %swap3A_122 = vector.load %arg1[%swap3A_119, %swap3A_120, %swap3A_121] : memref<4x8x256xi32, #tpu.memory_space<vmem>>, vector<1x8x256xi32>
    %swap3A_123 = vector.shape_cast %swap3A_122 : vector<1x8x256xi32> to vector<8x256xi32>
    %swap3A_124 = vector.shape_cast %convert_element_type3A_118 : vector<8x256xi32> to vector<1x8x256xi32>
    tpu.vector_store %arg1[%swap3A_119, %swap3A_120, %swap3A_121], %swap3A_124 {strides = array<i32>} : memref<4x8x256xi32, #tpu.memory_space<vmem>>, vector<1x8x256xi32>,
    return
  }
}

module attributes {stable_mosaic.version = 14 : i64} {
  func.func @_fc_body(%arg0: i32, %arg1: memref<1x2048x128xf32, #tpu.memory_space<vmem>>, %arg2: memref<128x128xf32, #tpu.memory_space<vmem>>, %arg3: memref<1x128xf32, #tpu.memory_space<vmem>>, %arg4: memref<128x3xf32, #tpu.memory_space<vmem>>, %arg5: memref<1x3xf32, #tpu.memory_space<vmem>>, %arg6: memref<1x2048x3xf32, #tpu.memory_space<vmem>>) attributes {dimension_semantics = [#tpu.dimension_semantics<arbitrary>], iteration_bounds = array<i64: 4>, scalar_prefetch = 0 : i64, scratch_operands = 0 : i64, tpu.core_type = #tpu.core_type<tc>, window_params = [{transform_indices = @transform_0, window_bounds = array<i64: 1, 2048, 128>}, {pipeline_mode = #tpu.pipeline_mode<synchronous>, transform_indices = @transform_1, window_bounds = array<i64: 128, 128>}, {pipeline_mode = #tpu.pipeline_mode<synchronous>, transform_indices = @transform_2, window_bounds = array<i64: 1, 128>}, {pipeline_mode = #tpu.pipeline_mode<synchronous>, transform_indices = @transform_3, window_bounds = array<i64: 128, 3>}, {pipeline_mode = #tpu.pipeline_mode<synchronous>, transform_indices = @transform_4, window_bounds = array<i64: 1, 3>}, {transform_indices = @transform_5, window_bounds = array<i64: 1, 2048, 3>}]} {
    %get3A = arith.constant 0 : index
    %get3A_0 = arith.constant 0 : index
    %get3A_1 = arith.constant 0 : index
    %get3A_2 = vector.load %arg1[%get3A, %get3A_0, %get3A_1] : memref<1x2048x128xf32, #tpu.memory_space<vmem>>, vector<1x2048x128xf32>
    %get3A_3 = vector.shape_cast %get3A_2 : vector<1x2048x128xf32> to vector<2048x128xf32>
    %convert_element_type3A = arith.truncf %get3A_3 : vector<2048x128xf32> to vector<2048x128xbf16>
    %get3A_4 = arith.constant 0 : index
    %get3A_5 = arith.constant 0 : index
    %get3A_6 = vector.load %arg2[%get3A_4, %get3A_5] : memref<128x128xf32, #tpu.memory_space<vmem>>, vector<128x128xf32>
    %convert_element_type3A_7 = arith.truncf %get3A_6 : vector<128x128xf32> to vector<128x128xbf16>
    %dot_general3A = arith.constant dense<0.000000e+00> : vector<2048x128xf32>
    %dot_general3A_8 = tpu.matmul %convert_element_type3A, %convert_element_type3A_7, %dot_general3A {dimension_numbers = #tpu.dot_dimension_numbers<[1], [0], [0], [1], [0, 0, 1, 1], [], []>, transpose_lhs_hint = false} : vector<2048x128xbf16>, vector<128x128xbf16>, vector<2048x128xf32> -> vector<2048x128xf32>
    %get3A_9 = arith.constant 0 : index
    %get3A_10 = arith.constant 0 : index
    %get3A_11 = vector.load %arg3[%get3A_9, %get3A_10] : memref<1x128xf32, #tpu.memory_space<vmem>>, vector<1x128xf32>
    %add3A = vector.broadcast %get3A_11 : vector<1x128xf32> to vector<2048x128xf32>
    %add3A_12 = arith.addf %dot_general3A_8, %add3A : vector<2048x128xf32>
    %max3A = arith.constant 0.000000e+00 : f32
    %max3A_13 = vector.broadcast %max3A : f32 to vector<2048x128xf32>
    %max3A_14 = arith.maximumf %add3A_12, %max3A_13 : vector<2048x128xf32>
    %convert_element_type3A_15 = arith.truncf %max3A_14 : vector<2048x128xf32> to vector<2048x128xbf16>
    %get3A_16 = arith.constant 0 : index
    %get3A_17 = arith.constant 0 : index
    %get3A_18 = vector.load %arg4[%get3A_16, %get3A_17] : memref<128x3xf32, #tpu.memory_space<vmem>>, vector<128x3xf32>
    %convert_element_type3A_19 = arith.truncf %get3A_18 : vector<128x3xf32> to vector<128x3xbf16>
    %dot_general3A_20 = arith.constant dense<0.000000e+00> : vector<2048x3xf32>
    %dot_general3A_21 = tpu.matmul %convert_element_type3A_15, %convert_element_type3A_19, %dot_general3A_20 {dimension_numbers = #tpu.dot_dimension_numbers<[1], [0], [0], [1], [0, 0, 1, 1], [], []>, transpose_lhs_hint = false} : vector<2048x128xbf16>, vector<128x3xbf16>, vector<2048x3xf32> -> vector<2048x3xf32>
    %get3A_22 = arith.constant 0 : index
    %get3A_23 = arith.constant 0 : index
    %get3A_24 = vector.load %arg5[%get3A_22, %get3A_23] : memref<1x3xf32, #tpu.memory_space<vmem>>, vector<1x3xf32>
    %add3A_25 = vector.broadcast %get3A_24 : vector<1x3xf32> to vector<2048x3xf32>
    %add3A_26 = arith.addf %dot_general3A_21, %add3A_25 : vector<2048x3xf32>
    %swap3A = arith.constant 0 : index
    %swap3A_27 = arith.constant 0 : index
    %swap3A_28 = arith.constant 0 : index
    %swap3A_29 = vector.load %arg6[%swap3A, %swap3A_27, %swap3A_28] : memref<1x2048x3xf32, #tpu.memory_space<vmem>>, vector<1x2048x3xf32>
    %swap3A_30 = vector.shape_cast %swap3A_29 : vector<1x2048x3xf32> to vector<2048x3xf32>
    %swap3A_31 = vector.shape_cast %add3A_26 : vector<2048x3xf32> to vector<1x2048x3xf32>
    tpu.vector_store %arg6[%swap3A, %swap3A_27, %swap3A_28], %swap3A_31 {strides = array<i32>} : memref<1x2048x3xf32, #tpu.memory_space<vmem>>, vector<1x2048x3xf32>,
    return
  }
  func.func @transform_0(%arg0: i32) -> (i32, i32, i32) {
    %c0_i32 = arith.constant 0 : i32
    %c0_i32_0 = arith.constant 0 : i32
    %c0_i32_1 = arith.constant 0 : i32
    return %arg0, %c0_i32, %c0_i32_0 : i32, i32, i32
  }
  func.func @transform_1(%arg0: i32) -> (i32, i32) {
    %c0_i32 = arith.constant 0 : i32
    %c0_i32_0 = arith.constant 0 : i32
    %c0_i32_1 = arith.constant 0 : i32
    return %c0_i32, %c0_i32_0 : i32, i32
  }
  func.func @transform_2(%arg0: i32) -> (i32, i32) {
    %c0_i32 = arith.constant 0 : i32
    %c0_i32_0 = arith.constant 0 : i32
    %c0_i32_1 = arith.constant 0 : i32
    return %c0_i32, %c0_i32_0 : i32, i32
  }
  func.func @transform_3(%arg0: i32) -> (i32, i32) {
    %c0_i32 = arith.constant 0 : i32
    %c0_i32_0 = arith.constant 0 : i32
    %c0_i32_1 = arith.constant 0 : i32
    return %c0_i32, %c0_i32_0 : i32, i32
  }
  func.func @transform_4(%arg0: i32) -> (i32, i32) {
    %c0_i32 = arith.constant 0 : i32
    %c0_i32_0 = arith.constant 0 : i32
    %c0_i32_1 = arith.constant 0 : i32
    return %c0_i32, %c0_i32_0 : i32, i32
  }
  func.func @transform_5(%arg0: i32) -> (i32, i32, i32) {
    %c0_i32 = arith.constant 0 : i32
    %c0_i32_0 = arith.constant 0 : i32
    %c0_i32_1 = arith.constant 0 : i32
    return %arg0, %c0_i32, %c0_i32_0 : i32, i32, i32
  }
}

module attributes {stable_mosaic.version = 14 : i64} {
  func.func @_fp_body(%arg0: i32, %arg1: i32, %arg2: memref<1x3x512xf32, #tpu.memory_space<vmem>>, %arg3: memref<1x2048x3xf32, #tpu.memory_space<vmem>>, %arg4: memref<1x3x2048xf32, #tpu.memory_space<vmem>>, %arg5: memref<1x3x512xf32, #tpu.memory_space<vmem>>) attributes {dimension_semantics = [#tpu.dimension_semantics<arbitrary>, #tpu.dimension_semantics<arbitrary>], iteration_bounds = array<i64: 4, 16>, scalar_prefetch = 0 : i64, scratch_operands = 0 : i64, tpu.core_type = #tpu.core_type<tc>, window_params = [{transform_indices = @transform_0, window_bounds = array<i64: 1, 3, 512>}, {transform_indices = @transform_1, window_bounds = array<i64: 1, 2048, 3>}, {transform_indices = @transform_2, window_bounds = array<i64: 1, 3, 2048>}, {transform_indices = @transform_3, window_bounds = array<i64: 1, 3, 512>}]} {
    %get3A = arith.constant 0 : index
    %get3A_0 = arith.constant 0 : index
    %get3A_1 = arith.constant 0 : index
    %get3A_2 = vector.load %arg2[%get3A, %get3A_0, %get3A_1] : memref<1x3x512xf32, #tpu.memory_space<vmem>>, vector<1x3x512xf32>
    %get3A_3 = vector.shape_cast %get3A_2 : vector<1x3x512xf32> to vector<3x512xf32>
    %get3A_4 = arith.constant 0 : index
    %get3A_5 = arith.constant 0 : index
    %get3A_6 = arith.constant 0 : index
    %get3A_7 = vector.load %arg3[%get3A_4, %get3A_5, %get3A_6] : memref<1x2048x3xf32, #tpu.memory_space<vmem>>, vector<1x2048x3xf32>
    %get3A_8 = vector.shape_cast %get3A_7 : vector<1x2048x3xf32> to vector<2048x3xf32>
    %slice3A = vector.extract_strided_slice %get3A_3 {offsets = [0, 0], sizes = [1, 512], strides = [1, 1]} : vector<3x512xf32> to vector<1x512xf32>
    %slice3A_9 = vector.extract_strided_slice %get3A_3 {offsets = [0, 0], sizes = [1, 512], strides = [1, 1]} : vector<3x512xf32> to vector<1x512xf32>
    %mul3A = arith.mulf %slice3A, %slice3A_9 : vector<1x512xf32>
    %slice3A_10 = vector.extract_strided_slice %get3A_3 {offsets = [1, 0], sizes = [1, 512], strides = [1, 1]} : vector<3x512xf32> to vector<1x512xf32>
    %slice3A_11 = vector.extract_strided_slice %get3A_3 {offsets = [1, 0], sizes = [1, 512], strides = [1, 1]} : vector<3x512xf32> to vector<1x512xf32>
    %mul3A_12 = arith.mulf %slice3A_10, %slice3A_11 : vector<1x512xf32>
    %add3A = arith.addf %mul3A, %mul3A_12 : vector<1x512xf32>
    %slice3A_13 = vector.extract_strided_slice %get3A_3 {offsets = [2, 0], sizes = [1, 512], strides = [1, 1]} : vector<3x512xf32> to vector<1x512xf32>
    %slice3A_14 = vector.extract_strided_slice %get3A_3 {offsets = [2, 0], sizes = [1, 512], strides = [1, 1]} : vector<3x512xf32> to vector<1x512xf32>
    %mul3A_15 = arith.mulf %slice3A_13, %slice3A_14 : vector<1x512xf32>
    %add3A_16 = arith.addf %add3A, %mul3A_15 : vector<1x512xf32>
    %mul3A_17 = arith.mulf %get3A_8, %get3A_8 : vector<2048x3xf32>
    %reduce_sum3A = arith.constant dense<0.000000e+00> : vector<2048xf32>
    %reduce_sum3A_18 = vector.multi_reduction <add>, %mul3A_17, %reduce_sum3A [1] : vector<2048x3xf32> to vector<2048xf32>
    %broadcast_in_dim3A = vector.shape_cast %reduce_sum3A_18 : vector<2048xf32> to vector<2048x1xf32>
    %convert_element_type3A = arith.truncf %get3A_8 : vector<2048x3xf32> to vector<2048x3xbf16>
    %convert_element_type3A_19 = arith.truncf %get3A_3 : vector<3x512xf32> to vector<3x512xbf16>
    %dot_general3A = arith.constant dense<0.000000e+00> : vector<2048x512xf32>
    %dot_general3A_20 = tpu.matmul %convert_element_type3A, %convert_element_type3A_19, %dot_general3A {dimension_numbers = #tpu.dot_dimension_numbers<[1], [0], [0], [1], [0, 0, 1, 1], [], []>, transpose_lhs_hint = false} : vector<2048x3xbf16>, vector<3x512xbf16>, vector<2048x512xf32> -> vector<2048x512xf32>
    %mul3A_21 = arith.constant 2.000000e+00 : f32
    %mul3A_22 = vector.broadcast %mul3A_21 : f32 to vector<2048x512xf32>
    %mul3A_23 = arith.mulf %mul3A_22, %dot_general3A_20 : vector<2048x512xf32>
    %sub3A = vector.broadcast %add3A_16 : vector<1x512xf32> to vector<2048x512xf32>
    %sub3A_24 = arith.subf %sub3A, %mul3A_23 : vector<2048x512xf32>
    %add3A_25 = vector.broadcast %broadcast_in_dim3A : vector<2048x1xf32> to vector<2048x512xf32>
    %add3A_26 = arith.addf %sub3A_24, %add3A_25 : vector<2048x512xf32>
    %iota3A = tpu.iota {dimensions = array<i32: 0>} : vector<2048x512xi32>
    %convert_element_type3A_27 = arith.sitofp %iota3A : vector<2048x512xi32> to vector<2048x512xf32>
    %reduce_min3A = arith.constant dense<0x7F800000> : vector<512xf32>
    %reduce_min3A_28 = vector.multi_reduction <minimumf>, %add3A_26, %reduce_min3A [0] : vector<2048x512xf32> to vector<512xf32>
    %broadcast_in_dim3A_29 = vector.shape_cast %reduce_min3A_28 : vector<512xf32> to vector<1x512xf32>
    %eq3A = vector.broadcast %broadcast_in_dim3A_29 : vector<1x512xf32> to vector<2048x512xf32>
    %eq3A_30 = arith.cmpf oeq, %add3A_26, %eq3A : vector<2048x512xf32>
    %jit3A = arith.constant 2.048000e+03 : f32
    %broadcast_in_dim3A_31 = vector.broadcast %jit3A : f32 to vector<2048x512xf32>
    %select_n3A = arith.select %eq3A_30, %convert_element_type3A_27, %broadcast_in_dim3A_31 : vector<2048x512xi1>, vector<2048x512xf32>
    %reduce_min3A_32 = arith.constant dense<0x7F800000> : vector<512xf32>
    %reduce_min3A_33 = vector.multi_reduction <minimumf>, %select_n3A, %reduce_min3A_32 [0] : vector<2048x512xf32> to vector<512xf32>
    %broadcast_in_dim3A_34 = vector.shape_cast %reduce_min3A_33 : vector<512xf32> to vector<1x512xf32>
    %eq3A_35 = vector.broadcast %broadcast_in_dim3A_29 : vector<1x512xf32> to vector<2048x512xf32>
    %eq3A_36 = arith.cmpf oeq, %add3A_26, %eq3A_35 : vector<2048x512xf32>
    %eq3A_37 = vector.broadcast %broadcast_in_dim3A_34 : vector<1x512xf32> to vector<2048x512xf32>
    %eq3A_38 = arith.cmpf oeq, %convert_element_type3A_27, %eq3A_37 : vector<2048x512xf32>
    %and3A = arith.andi %eq3A_36, %eq3A_38 : vector<2048x512xi1>
    %jit3A_39 = arith.constant 0x7F800000 : f32
    %broadcast_in_dim3A_40 = vector.broadcast %jit3A_39 : f32 to vector<2048x512xf32>
    %select_n3A_41 = arith.select %and3A, %broadcast_in_dim3A_40, %add3A_26 : vector<2048x512xi1>, vector<2048x512xf32>
    %reduce_min3A_42 = arith.constant dense<0x7F800000> : vector<512xf32>
    %reduce_min3A_43 = vector.multi_reduction <minimumf>, %select_n3A_41, %reduce_min3A_42 [0] : vector<2048x512xf32> to vector<512xf32>
    %broadcast_in_dim3A_44 = vector.shape_cast %reduce_min3A_43 : vector<512xf32> to vector<1x512xf32>
    %eq3A_45 = vector.broadcast %broadcast_in_dim3A_44 : vector<1x512xf32> to vector<2048x512xf32>
    %eq3A_46 = arith.cmpf oeq, %select_n3A_41, %eq3A_45 : vector<2048x512xf32>
    %jit3A_47 = arith.constant 2.048000e+03 : f32
    %broadcast_in_dim3A_48 = vector.broadcast %jit3A_47 : f32 to vector<2048x512xf32>
    %select_n3A_49 = arith.select %eq3A_46, %convert_element_type3A_27, %broadcast_in_dim3A_48 : vector<2048x512xi1>, vector<2048x512xf32>
    %reduce_min3A_50 = arith.constant dense<0x7F800000> : vector<512xf32>
    %reduce_min3A_51 = vector.multi_reduction <minimumf>, %select_n3A_49, %reduce_min3A_50 [0] : vector<2048x512xf32> to vector<512xf32>
    %broadcast_in_dim3A_52 = vector.shape_cast %reduce_min3A_51 : vector<512xf32> to vector<1x512xf32>
    %eq3A_53 = vector.broadcast %broadcast_in_dim3A_44 : vector<1x512xf32> to vector<2048x512xf32>
    %eq3A_54 = arith.cmpf oeq, %select_n3A_41, %eq3A_53 : vector<2048x512xf32>
    %eq3A_55 = vector.broadcast %broadcast_in_dim3A_52 : vector<1x512xf32> to vector<2048x512xf32>
    %eq3A_56 = arith.cmpf oeq, %convert_element_type3A_27, %eq3A_55 : vector<2048x512xf32>
    %and3A_57 = arith.andi %eq3A_54, %eq3A_56 : vector<2048x512xi1>
    %jit3A_58 = arith.constant 0x7F800000 : f32
    %broadcast_in_dim3A_59 = vector.broadcast %jit3A_58 : f32 to vector<2048x512xf32>
    %select_n3A_60 = arith.select %and3A_57, %broadcast_in_dim3A_59, %select_n3A_41 : vector<2048x512xi1>, vector<2048x512xf32>
    %reduce_min3A_61 = arith.constant dense<0x7F800000> : vector<512xf32>
    %reduce_min3A_62 = vector.multi_reduction <minimumf>, %select_n3A_60, %reduce_min3A_61 [0] : vector<2048x512xf32> to vector<512xf32>
    %broadcast_in_dim3A_63 = vector.shape_cast %reduce_min3A_62 : vector<512xf32> to vector<1x512xf32>
    %eq3A_64 = vector.broadcast %broadcast_in_dim3A_63 : vector<1x512xf32> to vector<2048x512xf32>
    %eq3A_65 = arith.cmpf oeq, %select_n3A_60, %eq3A_64 : vector<2048x512xf32>
    %jit3A_66 = arith.constant 2.048000e+03 : f32
    %broadcast_in_dim3A_67 = vector.broadcast %jit3A_66 : f32 to vector<2048x512xf32>
    %select_n3A_68 = arith.select %eq3A_65, %convert_element_type3A_27, %broadcast_in_dim3A_67 : vector<2048x512xi1>, vector<2048x512xf32>
    %reduce_min3A_69 = arith.constant dense<0x7F800000> : vector<512xf32>
    %reduce_min3A_70 = vector.multi_reduction <minimumf>, %select_n3A_68, %reduce_min3A_69 [0] : vector<2048x512xf32> to vector<512xf32>
    %broadcast_in_dim3A_71 = vector.shape_cast %reduce_min3A_70 : vector<512xf32> to vector<1x512xf32>
    %add3A_72 = arith.constant 9.99999993E-9 : f32
    %add3A_73 = vector.broadcast %add3A_72 : f32 to vector<1x512xf32>
    %add3A_74 = arith.addf %broadcast_in_dim3A_29, %add3A_73 : vector<1x512xf32>
    %div3A = arith.constant 1.000000e+00 : f32
    %div3A_75 = vector.broadcast %div3A : f32 to vector<1x512xf32>
    %div3A_76 = arith.divf %div3A_75, %add3A_74 : vector<1x512xf32>
    %add3A_77 = arith.constant 9.99999993E-9 : f32
    %add3A_78 = vector.broadcast %add3A_77 : f32 to vector<1x512xf32>
    %add3A_79 = arith.addf %broadcast_in_dim3A_44, %add3A_78 : vector<1x512xf32>
    %div3A_80 = arith.constant 1.000000e+00 : f32
    %div3A_81 = vector.broadcast %div3A_80 : f32 to vector<1x512xf32>
    %div3A_82 = arith.divf %div3A_81, %add3A_79 : vector<1x512xf32>
    %add3A_83 = arith.constant 9.99999993E-9 : f32
    %add3A_84 = vector.broadcast %add3A_83 : f32 to vector<1x512xf32>
    %add3A_85 = arith.addf %broadcast_in_dim3A_63, %add3A_84 : vector<1x512xf32>
    %div3A_86 = arith.constant 1.000000e+00 : f32
    %div3A_87 = vector.broadcast %div3A_86 : f32 to vector<1x512xf32>
    %div3A_88 = arith.divf %div3A_87, %add3A_85 : vector<1x512xf32>
    %add3A_89 = arith.addf %div3A_76, %div3A_82 : vector<1x512xf32>
    %add3A_90 = arith.addf %add3A_89, %div3A_88 : vector<1x512xf32>
    %broadcast_in_dim3A_91 = arith.constant 0.000000e+00 : f32
    %broadcast_in_dim3A_92 = vector.broadcast %broadcast_in_dim3A_91 : f32 to vector<2048x512xf32>
    %eq3A_93 = vector.broadcast %broadcast_in_dim3A_34 : vector<1x512xf32> to vector<2048x512xf32>
    %eq3A_94 = arith.cmpf oeq, %convert_element_type3A_27, %eq3A_93 : vector<2048x512xf32>
    %div3A_95 = arith.divf %div3A_76, %add3A_90 : vector<1x512xf32>
    %broadcast_in_dim3A_96 = vector.shape_cast %div3A_95 : vector<1x512xf32> to vector<1x512xf32>
    %broadcast_in_dim3A_97 = vector.broadcast %broadcast_in_dim3A_96 : vector<1x512xf32> to vector<2048x512xf32>
    %select_n3A_98 = arith.select %eq3A_94, %broadcast_in_dim3A_97, %broadcast_in_dim3A_92 : vector<2048x512xi1>, vector<2048x512xf32>
    %eq3A_99 = vector.broadcast %broadcast_in_dim3A_52 : vector<1x512xf32> to vector<2048x512xf32>
    %eq3A_100 = arith.cmpf oeq, %convert_element_type3A_27, %eq3A_99 : vector<2048x512xf32>
    %div3A_101 = arith.divf %div3A_82, %add3A_90 : vector<1x512xf32>
    %broadcast_in_dim3A_102 = vector.shape_cast %div3A_101 : vector<1x512xf32> to vector<1x512xf32>
    %broadcast_in_dim3A_103 = vector.broadcast %broadcast_in_dim3A_102 : vector<1x512xf32> to vector<2048x512xf32>
    %select_n3A_104 = arith.select %eq3A_100, %broadcast_in_dim3A_103, %select_n3A_98 : vector<2048x512xi1>, vector<2048x512xf32>
    %eq3A_105 = vector.broadcast %broadcast_in_dim3A_71 : vector<1x512xf32> to vector<2048x512xf32>
    %eq3A_106 = arith.cmpf oeq, %convert_element_type3A_27, %eq3A_105 : vector<2048x512xf32>
    %div3A_107 = arith.divf %div3A_88, %add3A_90 : vector<1x512xf32>
    %broadcast_in_dim3A_108 = vector.shape_cast %div3A_107 : vector<1x512xf32> to vector<1x512xf32>
    %broadcast_in_dim3A_109 = vector.broadcast %broadcast_in_dim3A_108 : vector<1x512xf32> to vector<2048x512xf32>
    %select_n3A_110 = arith.select %eq3A_106, %broadcast_in_dim3A_109, %select_n3A_104 : vector<2048x512xi1>, vector<2048x512xf32>
    %get3A_111 = arith.constant 0 : index
    %get3A_112 = arith.constant 0 : index
    %get3A_113 = arith.constant 0 : index
    %get3A_114 = vector.load %arg4[%get3A_111, %get3A_112, %get3A_113] : memref<1x3x2048xf32, #tpu.memory_space<vmem>>, vector<1x3x2048xf32>
    %get3A_115 = vector.shape_cast %get3A_114 : vector<1x3x2048xf32> to vector<3x2048xf32>
    %dot_general3A_116 = arith.constant dense<0.000000e+00> : vector<3x512xf32>
    %dot_general3A_117 = tpu.matmul %get3A_115, %select_n3A_110, %dot_general3A_116 {dimension_numbers = #tpu.dot_dimension_numbers<[1], [0], [0], [1], [0, 0, 1, 1], [], []>, precision = #tpu.contract_precision<fp32>, transpose_lhs_hint = false} : vector<3x2048xf32>, vector<2048x512xf32>, vector<3x512xf32> -> vector<3x512xf32>
    %swap3A = arith.constant 0 : index
    %swap3A_118 = arith.constant 0 : index
    %swap3A_119 = arith.constant 0 : index
    %swap3A_120 = vector.load %arg5[%swap3A, %swap3A_118, %swap3A_119] : memref<1x3x512xf32, #tpu.memory_space<vmem>>, vector<1x3x512xf32>
    %swap3A_121 = vector.shape_cast %swap3A_120 : vector<1x3x512xf32> to vector<3x512xf32>
    %swap3A_122 = vector.shape_cast %dot_general3A_117 : vector<3x512xf32> to vector<1x3x512xf32>
    tpu.vector_store %arg5[%swap3A, %swap3A_118, %swap3A_119], %swap3A_122 {strides = array<i32>} : memref<1x3x512xf32, #tpu.memory_space<vmem>>, vector<1x3x512xf32>,
    return
  }
  func.func @transform_0(%arg0: i32, %arg1: i32) -> (i32, i32, i32) {
    %c0_i32 = arith.constant 0 : i32
    %c0_i32_0 = arith.constant 0 : i32
    return %arg0, %c0_i32, %arg1 : i32, i32, i32
  }
  func.func @transform_1(%arg0: i32, %arg1: i32) -> (i32, i32, i32) {
    %c0_i32 = arith.constant 0 : i32
    %c0_i32_0 = arith.constant 0 : i32
    %c0_i32_1 = arith.constant 0 : i32
    return %arg0, %c0_i32, %c0_i32_0 : i32, i32, i32
  }
  func.func @transform_2(%arg0: i32, %arg1: i32) -> (i32, i32, i32) {
    %c0_i32 = arith.constant 0 : i32
    %c0_i32_0 = arith.constant 0 : i32
    %c0_i32_1 = arith.constant 0 : i32
    return %arg0, %c0_i32, %c0_i32_0 : i32, i32, i32
  }
  func.func @transform_3(%arg0: i32, %arg1: i32) -> (i32, i32, i32) {
    %c0_i32 = arith.constant 0 : i32
    %c0_i32_0 = arith.constant 0 : i32
    return %arg0, %c0_i32, %arg1 : i32, i32, i32
  }
}

</mosaic_0001>

<sc_bundles>
// kernel: gather_offload_async_start
scs
__scs_entry_jumppad:
0x0: {  	(pc) =	sbr.rel $0x88, $3  }
0x1: {  	(tag) =	ssettag $0x0;
	lr =	simm.s32 $0x1  }
0x2: {  	[smem:$0x3F92] =	sst lr;
	_ =	strace $0xD0000000  }
0x3: {  	_ = 	snop  }
0x4: {  	_ = 	snop  }
0x5: {  	_ = 	snop  }
0x6: {  	_ = 	snop  }
0x7: {  	_ = 	snop  }
__scs_overlays_trampoline_lowered:
0x8: {  	[smem:$0x3FA1] =	sst s0  }
0x9: {  	[smem:$0x3FA2] =	sst s1  }
0xa: {  	[smem:$0x3FA3] =	sst s2  }
0xb: {  	[smem:$0x3FA4] =	sst s3  }
0xc: {  	[smem:$0x3FA5] =	sst s4  }
0xd: {  	[smem:$0x3FA6] =	sst s5  }
0xe: {  	[smem:$0x3FA7] =	sst s6  }
0xf: {  	[smem:$0x3FA8] =	sst s7  }
0x10: {  	[smem:$0x3FA9] =	sst s8  }
0x11: {  	[smem:$0x3FAA] =	sst s9;
	s0 =	simm.s32 @!p0 $0x0  }
0x12: {  	s1 =	sld [smem:$0x3F90];
	s0 =	simm.s32 @p0 $0x1  }
0x13: {  	[smem:$0x3FAB] =	sst s0;
	s0 =	simm.s32 @!p1 $0x0  }
0x14: {  	s2 =	sld [smem:$0x3F8F];
	s0 =	simm.s32 @p1 $0x1  }
0x15: {  	[smem:$0x3FAC] =	sst s0;
	s0 =	simm.s32 @!p2 $0x0  }
0x16: {  	s3 =	sld [smem:$0x3FDB];
	s0 =	simm.s32 @p2 $0x1  }
0x17: {  	s4 =	simm.s32 $0x1BF5;
	[smem:$0x3FAE] =	sst s0  }
0x18: {  	s0 =	sld [smem:$0x3F91];
	_ =	swait.ge [sflag:s4], $0x0  }
0x19: {  	s7 =	sld [smem:$0x3F92]  }
0x1a: {  	s8 =	sadd.s32 $0xFFFFE003, lr  }
0x1b: {  	s9 =	sadd.s32 $0xFFFFFEF7, lr;
	s5 =	simm.s32 $0xFFFFFFFF;
	p2 =	slt.u32 s8, $0xFFFFF086  }
0x1c: {  	p1 =	slt.u32 s9, $0xF7A;
	s5 =	simm.s32 @!p2 $0x0  }
0x1d: {  	s5 =	simm.s32 @p1 $0x1;
	p0 =	seq.s32 s7, s2  }
0x1e: {  	s7 =	smul.u32 @!p0 $0xF7A, s2;
	p2 =	seq.s32 @!p0 s5, $0x0  }
0x1f: {  	s9 =	smul.u32 $0xF7A, s1;
	s8 =	simm.s32 @!p0 $0x1BF5;
	p2 =	por !p2, p0  }
0x20: {  	[sflag:s8] =	ssyncset.s32 @!p0 $0xFFFFF086;
	s6 =	sadd.s32 @!p0 s3, s7;
	s7 =	simm.s32 @!p0 $0x108  }
0x21: {  	s3 =	sadd.s32 s3, s9;
	s6 =	sadd.s32 @!p0 $0x88, s6;
	s7 =	simm.s32 @p2 $0x1082  }
0x22: {  	[simem:s7], [sflag:s8] =	dma.local @!p0 [hbm:s6], $0xF7A  }
0x23: {  	s9 =	sor.u32 $0xD0000000, s2;
	s6 =	simm.s32 $0x108;
	_ =	swait.ge @!p0 [sflag:s8], $0x0  }
0x24: {  	s3 =	sadd.s32 $0x88, s3;
	s6 =	simm.s32 @!p1 $0x1082;
	[sflag:s4] =	ssyncset.s32 $0xFFFFF086  }
0x25: {  	[simem:s6], [sflag:s4] =	dma.local [hbm:s3], $0xF7A  }
0x26: {  	[smem:$0x3F92] =	sst s1;
	(tag) =	ssettag s2;
	_ =	strace s9  }
0x27: {  	s1 =	sld [smem:$0x3FA2]  }
0x28: {  	s2 =	sld [smem:$0x3FA3]  }
0x29: {  	s4 =	sld [smem:$0x3FA5]  }
0x2a: {  	p0 =	seq.s32 s5, $0x0;
	s5 =	sld [smem:$0x3FA6]  }
0x2b: {  	s6 =	sld [smem:$0x3FA7]  }
0x2c: {  	s7 =	sld [smem:$0x3FA8]  }
0x2d: {  	s3 =	simm.s32 $0x108;
	s8 =	sld [smem:$0x3FA9]  }
0x2e: {  	s3 =	simm.s32 @!p0 $0x1082;
	s9 =	sld [smem:$0x3FAA]  }
0x2f: {  	lr =	sadd.s32 s0, s3;
	s0 =	sld [smem:$0x3FA1]  }
0x30: {  	s3 =	sld [smem:$0x3FA4]  }
0x31: {  	[smem:$0x3FAD] =	sst s10  }
0x32: {  	s10 =	sld [smem:$0x3FAB];
	_ =	sdelay $0x3  }
0x33: {  	p0 =	seq.s32 s10, $0x1;
	s10 =	sld [smem:$0x3FAD];
	_ =	sdelay $0x3  }
0x34: {  	[smem:$0x3FAD] =	sst s10  }
0x35: {  	s10 =	sld [smem:$0x3FAC];
	_ =	sdelay $0x3  }
0x36: {  	p1 =	seq.s32 s10, $0x1;
	s10 =	sld [smem:$0x3FAD];
	_ =	sdelay $0x3  }
0x37: {  	[smem:$0x3FAD] =	sst s10  }
0x38: {  	s10 =	sld [smem:$0x3FAE]  }
0x39: {  	_ = 	snop;
	(pc) =	sbr.ind lr, $3  }
0x3a: {  	_ = 	snop  }
0x3b: {  	_ = 	snop  }
0x3c: {  	p2 =	seq.s32 s10, $0x1;
	s10 =	sld [smem:$0x3FAD]  }
0x3d: {  	_ =	shalt  }
0x3e: {  	_ =	shalt  }
0x3f: {  	_ =	shalt  }
0x40: {  	_ =	shalt  }
0x41: {  	_ =	shalt  }
0x42: {  	_ =	shalt  }
0x43: {  	_ =	shalt  }
0x44: {  	_ =	shalt  }
0x45: {  	_ =	shalt  }
0x46: {  	_ =	shalt  }
0x47: {  	_ =	shalt  }
0x48: {  	_ =	shalt  }
0x49: {  	_ =	shalt  }
0x4a: {  	_ =	shalt  }
0x4b: {  	_ =	shalt  }
0x4c: {  	_ =	shalt  }
0x4d: {  	_ =	shalt  }
0x4e: {  	_ =	shalt  }
0x4f: {  	_ =	shalt  }
0x50: {  	_ =	shalt  }
0x51: {  	_ =	shalt  }
0x52: {  	_ =	shalt  }
0x53: {  	_ =	shalt  }
0x54: {  	_ =	shalt  }
0x55: {  	_ =	shalt  }
0x56: {  	_ =	shalt  }
0x57: {  	_ =	shalt  }
0x58: {  	_ =	shalt  }
0x59: {  	_ =	shalt  }
0x5a: {  	_ =	shalt  }
0x5b: {  	_ =	shalt  }
0x5c: {  	_ =	shalt  }
0x5d: {  	_ =	shalt  }
0x5e: {  	_ =	shalt  }
0x5f: {  	_ =	shalt  }
0x60: {  	_ =	shalt  }
0x61: {  	_ =	shalt  }
0x62: {  	_ =	shalt  }
0x63: {  	_ =	shalt  }
0x64: {  	_ =	shalt  }
0x65: {  	_ =	shalt  }
0x66: {  	_ =	shalt  }
0x67: {  	_ =	shalt  }
0x68: {  	_ =	shalt  }
0x69: {  	_ =	shalt  }
0x6a: {  	_ =	shalt  }
0x6b: {  	_ =	shalt  }
0x6c: {  	_ =	shalt  }
0x6d: {  	_ =	shalt  }
0x6e: {  	_ =	shalt  }
0x6f: {  	_ =	shalt  }
0x70: {  	_ =	shalt  }
0x71: {  	_ =	shalt  }
0x72: {  	_ =	shalt  }
0x73: {  	_ =	shalt  }
0x74: {  	_ =	shalt  }
0x75: {  	_ =	shalt  }
0x76: {  	_ =	shalt  }
0x77: {  	_ =	shalt  }
0x78: {  	_ =	shalt  }
0x79: {  	_ =	shalt  }
0x7a: {  	_ =	shalt  }
0x7b: {  	_ =	shalt  }
0x7c: {  	_ =	shalt  }
0x7d: {  	_ =	shalt  }
0x7e: {  	_ =	shalt  }
0x7f: {  	_ =	shalt  }
0x80: {  	_ =	shalt  }
0x81: {  	_ =	shalt  }
0x82: {  	_ =	shalt  }
0x83: {  	_ =	shalt  }
0x84: {  	_ =	shalt  }
0x85: {  	_ =	shalt  }
0x86: {  	_ =	shalt  }
0x87: {  	_ =	shalt  }
.Lfunc_end0:
.L_simem_size_0:
called_computation.3_lowered:
.L_overlay_start_0:
0x88: {  	s2 =	sld [smem:$0x3FD9]  }
0x89: {  	s3 =	sld [smem:$0x3FFE];
	_ =	sdelay $0x1  }
0x8a: {  	s1 =	srdreg.scid  }
0x8b: {  	s0 =	sand.u32 $0x1, s1  }
0x8c: {  	s14 =	sshll.u32 s0, $0xA;
	s2 =	sadd.s32 s3, s2  }
0x8d: {  	s2 =	sadd.s32 s2, s14  }
0x8e: {  	[smem:$0x3FB9] =	sst s2  }
0x8f: {  	_ = 	snop  }
0x90: {  	s2 =	sld [smem:$0x3FD0];
	_ =	sdelay $0x2  }
0x91: {  	s15 =	simm.s32 $0xA;
	s4 =	simm.s32 $0x10  }
0x92: {  	[smem:s4], [sflag:s15] =	dma.local [hbm:s2], $0x1  }
0x93: {  	_ =	swait.eq [sflag:s15], $0x1  }
0x94: {  	[sflag:s15] =	ssyncset.done $0x0  }
0x95: {  	[sflag:s15] =	ssyncadd.s32 $0xFFFFFFFF  }
0x96: {  	s16 =	sld [smem:$0x11];
	(tm) =	ssettm $0x1  }
0x97: {  	s17 =	sld [smem:$0x3FFB];
	_ =	sdelay $0x3  }
0x98: {  	_ =	strace s17  }
0x99: {  	s3 =	sld [smem:$0x3FFC];
	_ =	sdelay $0x3  }
0x9a: {  	_ =	strace s3  }
0x9b: {  	s3 =	sld [smem:$0x3FFD];
	_ =	sdelay $0x3  }
0x9c: {  	_ =	strace s3  }
0x9d: {  	_ =	strace $0x8FFFFFFF  }
0x9e: {  	s18 =	sld [smem:$0x3FDB];
	_ =	sdelay $0x1  }
0x9f: {  	s19 =	simm.s32 $_scs_section_size  }
0xa0: {  	s5 =	simm.s32 $_size__tile_overlayer_lowered;
	s6 =	simm.s32 $_tile_overlayer_lowered  }
0xa1: {  	s22 =	simm.s32 $0x1BFF;
	s21 =	sshll.u32 s6, $0x1;
	s3 =	sadd.s32 s19, s18  }
0xa2: {  	s7 =	simm.s32 $0x0;
	s20 =	sshll.u32 s5, $0x1;
	s5 =	sadd.s32 s21, s3  }
0xa3: {  	[timem:s7], [sflag:s22] =	dma.local [hbm:s5], s20  }
0xa4: {  	_ =	swait.ge [sflag:s22], s20  }
0xa5: {  	s4 =	ssub.s32 $0x0, s20;
	[sflag:s22] =	ssyncset.done $0x0  }
0xa6: {  	[sflag:s22] =	ssyncadd.s32 s4;
	_ =	sdelay $0x1  }
0xa7: {  	s23 =	simm.s32 $0x1B8B  }
0xa8: {  	_ =	swait.ge [sflag:s23], $0x1  }
0xa9: {  	[sflag:s23] =	ssyncset.done $0x0  }
0xaa: {  	s25 =	simm.s32 $0x1B8E;
	s24 =	sld [smem:$0x3FFE];
	[sflag:s23] =	ssyncadd.s32 $0xFFFFFFFF  }
0xab: {  	s26 =	simm.s32 $execute0_lowered;
	[smem:$0x3FD2] =	sst s25  }
0xac: {  	s5 =	sshll.u32 s26, $0x1;
	_ =	strace $0x80000046;
	[dreg:$0x1] =	wrdreg $0xFFFFFFFF  }
0xad: {  	s28 =	simm.s32 $_size_execute0_lowered;
	s3 =	sadd.s32 s3, s5;
	[dreg:$0x0] =	wrdreg $0x0  }
0xae: {  	s5 =	sshll.u32 s28, $0x1;
	[dreg:$0x2] =	wrdreg s3  }
0xaf: {  	[dreg:$0x3] =	wrdreg s5  }
0xb0: {  	[dreg:$0x4] =	wrdreg $0xC0  }
0xb1: {  	_ =	task [dreg:s7], $0x5FFFF  }
0xb2: {  	[dreg:$0x1] =	wrdreg $0xFFFFFFFF  }
0xb3: {  	[dreg:$0x0] =	wrdreg $0x60  }
0xb4: {  	[dreg:$0x2] =	wrdreg s24  }
0xb5: {  	[dreg:$0x3] =	wrdreg s16  }
0xb6: {  	[dreg:$0x4] =	wrdreg $0x9  }
0xb7: {  	_ =	task.clear_ibuf [dreg:s7], $0x5FFFF;
	_ =	strace $0x90000046  }
0xb8: {  	s29 =	simm.s32 $0x9;
	_ =	strace $0x80000048  }
0xb9: {  	_ =	swait.ge [sflag:s29], $0x1  }
0xba: {  	[sflag:s29] =	ssyncadd.s32 $0xFFFFFFFF  }
0xbb: {  	_ =	strace $0x90000048  }
0xbc: {  	_ =	sfence  }
0xbd: {  	s30 =	sld [smem:$0x0];
	_ =	sdelay $0x2  }
0xbe: {  	s31 =	sshll.u32 s1, $0xD;
	s1 =	sshrl.u32 s1, $0x2  }
0xbf: {  	s3 =	sand.u32 $0x4000, s31;
	s1 =	sadd.s32 s1, s30  }
0xc0: {  	s0 =	sor.u32 s3, s0;
	s1 =	sshll.u32 s1, $0x11  }
0xc1: {  	s0 =	sor.u32 s1, s0  }
0xc2: {  	s0 =	sadd.s32 $0x8F2B, s0  }
0xc3: {  	[sflag:s0] =	ssyncadd.remote.s32 $0x1  }
0xc4: {  	_ =	sfence.sel $0xFFFF  }
0xc5: {  	[dreg:$0x0] =	wrdreg $0xFFFFFFFF;
	(pc) =	sbr.abs _section_cstart, $3  }
0xc6: {  	[dreg:$0x1] =	wrdreg $0xFFFFFFFF  }
0xc7: {  	_ =	task.clear_ibuf [dreg:s7], $0x2FFFF;
	_ =	strace $0x9FFFFFFF  }
0xc8: {  	(tm) =	ssettm $0x7FFFFFFF  }
0xc9: {  	_ =	shalt  }
tec
execute0_lowered:
.L_overlay_start_1:
0x0: {  	(tag) =	ssettag $0x1  }
0x1: {  	s2 =	rddreg [dreg:$0x0]  }
0x2: {  	s3 =	rddreg [dreg:$0x1]  }
0x3: {  	s0 =	rddreg [dreg:$0x2];
	s1 =	srdreg.scid;
	_ =	strace $0x80000047  }
0x4: {  	s4 =	simm.s32 $0x1;
	s9 =	simm.s32 $0x3;
	s5 =	sshll.u32 s1, $0x4  }
.Ltmp0:
0x5: {  	s1 =	stileid.u32;
	s5 =	sand.u32 $0x10, s5;
	(pc) =	sbr.rel .LBB2_1-.Ltmp0, $4  }
0x6: {  	s12 =	simm.s32 $0x0;
	s10 =	simm.s32 $0x0;
	s6 =	sor.u32 s1, s5  }
0x7: {  	[sflag:s4] =	ssyncpa.u1 $0x0;
	s5 =	simm.s32 $0x2;
	s6 =	sshll.u32 s6, $0x8  }
0x8: {  	s7 =	sadd.s32 $0x20000, s2;
	[sflag:s5] =	ssyncpa.u1 $0x0;
	s8 =	sadd.s32 $0x100, s6  }
0x9: {  	vm0 =	vmmov $0xff;
	vm1 =	vcmask $0x3F20;
	[sflag:s9] =	ssyncpa.u1 $0x0;
	s9 =	simm.s32 $0x100;
	s11 =	smov.u32 s6  }
.LBB2_9:
0xa: {  	p0 =	seq.s32 s10, $0x2  }
.Ltmp1:
0xb: {  	_ = 	snop;
	(pc) =	sbr.rel @p0 .LBB2_11-.Ltmp1, $1  }
0xc: {  	_ =	sdelay $0x3  }
.LBB2_10:
0xd: {  	s12 =	sadd.s32 $0x100, s11  }
0xe: {  	s13 =	smov.u32 s6;
	p0 =	slt.s32 s12, s8  }
0xf: {  	s13 =	smov.u32 @p0 s12  }
0x10: {  	s10 =	sadd.s32 $0x1, s10;
	s12 =	smov.u32 s11;
	s11 =	smov.u32 s13  }
.LBB2_1:
0x11: {  	p0 =	sne.s32 s10, $0x0  }
.Ltmp2:
0x12: {  	_ = 	snop;
	(pc) =	sbr.rel @!p0 .LBB2_2-.Ltmp2, $1  }
0x13: {  	_ =	sdelay $0x3  }
0x14: {  	s13 =	sand.u32 $0x1, s10  }
0x15: {  	p0 =	seq.s32 s13, $0x0  }
.Ltmp3:
0x16: {  	_ = 	snop;
	(pc) =	sbr.rel @p0 .LBB2_9-.Ltmp3, $1  }
0x17: {  	_ =	sdelay $0x3  }
0x18: {  	_ =	swait.ge [sflag:s5], $0x100  }
0x19: {  	[sflag:s5] =	ssyncset.done $0x0  }
0x1a: {  	s13 =	simm.s32 $0x0;
	[sflag:s5] =	ssyncadd.s32 $0xFFFFFF00  }
0x1b: {  	v0 =	vld.msk [tilespmem:s13+$0x100 ss:$0x1], $0xffff;
	_ =	sdelay $0x4  }
0x1c: {  	v1 =	vshll.u32 v0, $0x5  }
0x1d: {  	vm2 =	veq.s32 v0, $0x80000000;
	v0 =	vshll.u32 v0, $0x12;
	v1 =	vand.u32 $0x3FF80, v1  }
0x1e: {  	v0 =	vand.u32 $0xC0000, v0;
	v1 =	vsel vm2, $0xFFFFFF80, v1  }
0x1f: {  	v0 =	vsel vm2, $0xFFFC0000, v0;
	v2 =	vand.u32 $0xFFFFFC00, v1  }
0x20: {  	v1 =	vand.u32 $0x380, v1;
	v0 =	vadd.s32 v0, v2  }
0x21: {  	v0 =	vor.u32 v1, v0  }
0x22: {  	v0 =	vshrl.u32 v0, $0x3;
	_ =	sdelay $0x3  }
0x23: {  	s13 =	simm.s32 $0x8200  }
0x24: {  	[tilespmem:s13], [sflag:$0x1] =	stream.indirect_vreg.gather [hbm:s2], $0x80, v0, vm0, $0x38;
	[tilespmem:$0x10200] =	vst v63  }
0x25: {  	s14 =	simm.s32 $0x8600;
	s31 =	simm.s32 $0x10  }
0x26: {  	[tilespmem:s14], [sflag:$0x1] =	stream.indirect_vreg.gather [hbm:s2], $0x80, v0, vm1, $0x38;
	[tilespmem:$0x10200] =	vst v63  }
0x27: {  	s14 =	simm.s32 $0x80;
	v0 =	vld.msk [tilespmem:s31+$0x100 ss:$0x1], $0xffff  }
.LBB2_5:
0x28: {  	p0 =	sne.s32 s14, $0x3C0;
	_ =	sdelay $0x4  }
0x29: {  	v1 =	vshll.u32 v0, $0x5  }
0x2a: {  	vm2 =	veq.s32 v0, $0x80000000;
	v0 =	vshll.u32 v0, $0x12;
	v1 =	vand.u32 $0x3FF80, v1  }
0x2b: {  	v0 =	vand.u32 $0xC0000, v0;
	v1 =	vsel vm2, $0xFFFFFF80, v1  }
0x2c: {  	v0 =	vsel vm2, $0xFFFC0000, v0;
	v2 =	vand.u32 $0xFFFFFC00, v1  }
0x2d: {  	v1 =	vand.u32 $0x380, v1;
	v0 =	vadd.s32 v0, v2  }
0x2e: {  	v0 =	vor.u32 v1, v0  }
0x2f: {  	v0 =	vshrl.u32 v0, $0x3;
	_ =	sdelay $0x3  }
.Ltmp4:
0x30: {  	s13 =	sadd.s32 $0x800, s13;
	(pc) =	sbr.rel @p0 .LBB2_5-.Ltmp4, $4  }
0x31: {  	[tilespmem:s13], [sflag:$0x1] =	stream.indirect_vreg.gather [hbm:s2], $0x80, v0, vm0, $0x38;
	[tilespmem:$0x10200] =	vst v63  }
0x32: {  	s15 =	sshra.s32 s14, $0x2;
	s16 =	sadd.s32 $0x400, s13  }
0x33: {  	[tilespmem:s16], [sflag:$0x1] =	stream.indirect_vreg.gather [hbm:s2], $0x80, v0, vm1, $0x38;
	[tilespmem:$0x10200] =	vst v63  }
0x34: {  	s14 =	sadd.s32 $0x40, s14;
	v0 =	vld.msk [tilespmem:s15+$0x100 ss:$0x1], $0xffff  }
0x35: {  	_ =	sdelay $0x3  }
0x36: {  	v1 =	vshll.u32 v0, $0x5  }
0x37: {  	vm2 =	veq.s32 v0, $0x80000000;
	v63 =	vshll.u32 v0, $0x12;
	v1 =	vand.u32 $0x3FF80, v1  }
0x38: {  	v0 =	vand.u32 $0xC0000, v63;
	v1 =	vsel vm2, $0xFFFFFF80, v1  }
0x39: {  	v0 =	vsel vm2, $0xFFFC0000, v0;
	v2 =	vand.u32 $0xFFFFFC00, v1  }
0x3a: {  	v1 =	vand.u32 $0x380, v1;
	v0 =	vadd.s32 v0, v2  }
0x3b: {  	v0 =	vor.u32 v1, v0  }
0x3c: {  	v0 =	vshrl.u32 v0, $0x3;
	_ =	sdelay $0x3  }
0x3d: {  	s13 =	sadd.s32 $0x800, s13  }
0x3e: {  	[tilespmem:s13], [sflag:$0x1] =	stream.indirect_vreg.gather [hbm:s2], $0x80, v0, vm0, $0x38;
	[tilespmem:$0x10200] =	vst v63  }
0x3f: {  	s13 =	sadd.s32 $0x400, s13  }
0x40: {  	[tilespmem:s13], [sflag:$0x1] =	stream.indirect_vreg.gather [hbm:s2], $0x80, v0, vm1, $0x38;
	[tilespmem:$0x10200] =	vst v63  }
0x41: {  	s12 =	sshll.u32 s12, $0x4;
	s14 =	simm.s32 $0x80;
	_ =	swait.ge [sflag:s4], $0x8000  }
0x42: {  	s15 =	simm.s32 $0x8600;
	s12 =	sadd.s32 s12, s7;
	[sflag:s4] =	ssyncset.done $0x0  }
0x43: {  	s16 =	sadd.s32 $0x0, s12;
	s13 =	simm.s32 $0x8200;
	[sflag:s4] =	ssyncadd.s32 $0xFFFF8000  }
.LBB2_7:
0x44: {  	[hbm:s16] =	stream.linear.scatter [tilespmem:s13], [sflag:$0x3], $0x400, $0x38;
	[tilespmem:$0x10200] =	vst v63  }
0x45: {  	s16 =	smov.u32 s14;
	s13 =	smov.u32 s15;
	p0 =	sne.s32 s14, $0xF80  }
.Ltmp5:
0x46: {  	s14 =	sadd.s32 $0x80, s14;
	(pc) =	sbr.rel @p0 .LBB2_7-.Ltmp5, $2  }
0x47: {  	_ =	sdelay $0x2  }
0x48: {  	s15 =	sadd.s32 $0x400, s15;
	s16 =	sadd.s32 s16, s12  }
.Ltmp6:
0x49: {  	(pc) =	sbr.rel .LBB2_9-.Ltmp6, $2  }
0x4a: {  	_ =	sdelay $0x2  }
0x4b: {  	[hbm:s16] =	stream.linear.scatter [tilespmem:s13], [sflag:$0x3], $0x400, $0x38;
	[tilespmem:$0x10200] =	vst v63  }
.LBB2_2:
.Ltmp7:
0x4c: {  	(pc) =	sbr.rel .LBB2_10-.Ltmp7, $4  }
0x4d: {  	_ = 	snop  }
0x4e: {  	s12 =	sshrl.u32 s11, $0x3  }
0x4f: {  	s13 =	sand.u32 $0x7, s11;
	s12 =	sadd.s32 s3, s12  }
0x50: {  	[tilespmem:s9], [sflag:$0x2] =	stream.linear.gather [hbm4b:s12+s13], $0x100, $0x38;
	[tilespmem:$0x10200] =	vst v63  }
.LBB2_11:
0x51: {  	s2 =	simm.s32 $0x3  }
0x52: {  	_ =	swait.ge [sflag:s2], $0x8000  }
0x53: {  	[sflag:s2] =	ssyncset.done $0x0  }
0x54: {  	[sflag:s2] =	ssyncadd.s32 $0xFFFF8000  }
0x55: {  	_ =	sfence.sel $0x180000  }
0x56: {  	s3 =	simm.s32 $0x2;
	[bflag:$0x0] =	sbarrier.arrive $0xFFFF  }
0x57: {  	[sflag:s3] =	ssyncpa.u1 $0x1  }
0x58: {  	s31 =	simm.s32 $0x1;
	[sflag:s2] =	ssyncpa.u1 $0x1  }
0x59: {  	[sflag:s31] =	ssyncpa.u1 $0x1  }
0x5a: {  	p0 =	sne.s32 s1, $0x0;
	_ =	strace $0x90000047  }
0x5b: {  	s0 =	sadd.s32 @!p0 $0x100000, s0;
	[bflag:$0x2] =	sbarrier.arrive $0xFFFF  }
0x5c: {  	[sflag:s0] =	ssyncadd.tile.s32 @!p0 $0x1;
	_ =	shalt  }
.Lfunc_end2:
_tile_overlayer_lowered:
.L_overlay_start_2:
0x5d: {  	(tag) =	ssettag $0x2  }
0x5e: {  	s0 =	rddreg [dreg:$0x0];
	s2 =	stileid.u32  }
0x5f: {  	s1 =	rddreg [dreg:$0x1];
	p0 =	sne.s32 s2, $0x0  }
0x60: {  	s3 =	rddreg [dreg:$0x2];
	[bflag:$0x3] =	sbarrier.arrive $0xFFFF;
	s2 =	simm.s32 @!p0 $0x1C01  }
0x61: {  	[timem:s3], [sflag:s2] =	dma.local @!p0 [hbm:s0], s1  }
0x62: {  	s0 =	simm.s32 @!p0 $0x1  }
0x63: {  	_ =	swait.ge @!p0 [sflag:s0], s1  }
0x64: {  	s1 =	ssub.s32 @!p0 $0x0, s1;
	[sflag:s0] =	ssyncset.done @!p0 $0x0  }
0x65: {  	[sflag:s0] =	ssyncadd.s32 @!p0 s1  }
0x66: {  	[bflag:$0x3] =	sbarrier.arrive $0xFFFF  }
0x67: {  	_ =	shalt  }

// kernel: sparse-core-data-format-call.1.cloned.1.call-start
scs
called_computation.1_lowered:
.L_overlay_start_0:
0x0: {  	s1 =	sld [smem:$0x3FD9]  }
0x1: {  	s2 =	sld [smem:$0x3FFE];
	_ =	sdelay $0x1  }
0x2: {  	s3 =	srdreg.scid  }
0x3: {  	s0 =	sand.u32 $0x1, s3  }
0x4: {  	s17 =	sshll.u32 s0, $0xA;
	s1 =	sadd.s32 s2, s1  }
0x5: {  	s1 =	sadd.s32 s1, s17  }
0x6: {  	[smem:$0x3FB9] =	sst s1  }
0x7: {  	_ = 	snop  }
0x8: {  	(tm) =	ssettm $0x1  }
0x9: {  	s18 =	sld [smem:$0x3FFB];
	_ =	sdelay $0x3  }
0xa: {  	_ =	strace s18  }
0xb: {  	s1 =	sld [smem:$0x3FFC];
	_ =	sdelay $0x3  }
0xc: {  	_ =	strace s1  }
0xd: {  	s1 =	sld [smem:$0x3FFD];
	_ =	sdelay $0x3  }
0xe: {  	_ =	strace s1  }
0xf: {  	_ =	strace $0x8FFFFFFF  }
0x10: {  	s19 =	sld [smem:$0x3FDB];
	_ =	sdelay $0x1  }
0x11: {  	s20 =	simm.s32 $_scs_section_size  }
0x12: {  	s4 =	simm.s32 $_size__tile_overlayer_lowered;
	s5 =	simm.s32 $_tile_overlayer_lowered  }
0x13: {  	s23 =	simm.s32 $0x1BFF;
	s22 =	sshll.u32 s5, $0x1;
	s1 =	sadd.s32 s20, s19  }
0x14: {  	s6 =	simm.s32 $0x0;
	s21 =	sshll.u32 s4, $0x1;
	s4 =	sadd.s32 s22, s1  }
0x15: {  	[timem:s6], [sflag:s23] =	dma.local [hbm:s4], s21  }
0x16: {  	_ =	swait.ge [sflag:s23], s21  }
0x17: {  	s2 =	ssub.s32 $0x0, s21;
	[sflag:s23] =	ssyncset.done $0x0  }
0x18: {  	[sflag:s23] =	ssyncadd.s32 s2;
	_ =	sdelay $0x1  }
0x19: {  	s24 =	simm.s32 $0x1B8B  }
0x1a: {  	_ =	swait.ge [sflag:s24], $0x1  }
0x1b: {  	[sflag:s24] =	ssyncset.done $0x0  }
0x1c: {  	s26 =	simm.s32 $0x1B8E;
	s25 =	sld [smem:$0x3FFE];
	[sflag:s24] =	ssyncadd.s32 $0xFFFFFFFF  }
0x1d: {  	s27 =	simm.s32 $execute0_lowered;
	[smem:$0x3FD2] =	sst s26  }
0x1e: {  	s4 =	sshll.u32 s27, $0x1;
	_ =	strace $0x8000004C;
	[dreg:$0x1] =	wrdreg $0xFFFFFFFF  }
0x1f: {  	s28 =	simm.s32 $_size_execute0_lowered;
	s1 =	sadd.s32 s1, s4;
	[dreg:$0x0] =	wrdreg $0x0  }
0x20: {  	s4 =	sshll.u32 s28, $0x1;
	[dreg:$0x2] =	wrdreg s1  }
0x21: {  	[dreg:$0x3] =	wrdreg s4  }
0x22: {  	[dreg:$0x4] =	wrdreg $0xC0  }
0x23: {  	_ =	task [dreg:s6], $0x5FFFF  }
0x24: {  	[dreg:$0x1] =	wrdreg $0xFFFFFFFF  }
0x25: {  	[dreg:$0x0] =	wrdreg $0x60  }
0x26: {  	[dreg:$0x2] =	wrdreg s25  }
0x27: {  	[dreg:$0x3] =	wrdreg $0x9  }
0x28: {  	_ =	task.clear_ibuf [dreg:s6], $0x4FFFF;
	_ =	strace $0x9000004C  }
0x29: {  	s29 =	simm.s32 $0x9;
	_ =	strace $0x8000004E  }
0x2a: {  	_ =	swait.ge [sflag:s29], $0x1  }
0x2b: {  	[sflag:s29] =	ssyncadd.s32 $0xFFFFFFFF  }
0x2c: {  	_ =	strace $0x9000004E  }
0x2d: {  	_ =	sfence  }
0x2e: {  	s30 =	sld [smem:$0x0];
	_ =	sdelay $0x2  }
0x2f: {  	s31 =	sshll.u32 s3, $0xD;
	s3 =	sshrl.u32 s3, $0x2  }
0x30: {  	s2 =	sand.u32 $0x4000, s31;
	s1 =	sadd.s32 s3, s30  }
0x31: {  	s0 =	sor.u32 s2, s0;
	s1 =	sshll.u32 s1, $0x11  }
0x32: {  	s0 =	sor.u32 s1, s0  }
0x33: {  	s0 =	sadd.s32 $0x8F2B, s0  }
0x34: {  	[sflag:s0] =	ssyncadd.remote.s32 $0x1  }
0x35: {  	_ =	sfence.sel $0xFFFF  }
0x36: {  	[dreg:$0x0] =	wrdreg $0xFFFFFFFF;
	(pc) =	sbr.abs _section_cstart, $3  }
0x37: {  	[dreg:$0x1] =	wrdreg $0xFFFFFFFF  }
0x38: {  	_ =	task.clear_ibuf [dreg:s6], $0x2FFFF;
	_ =	strace $0x9FFFFFFF  }
0x39: {  	(tm) =	ssettm $0x7FFFFFFF  }
tec
execute0_lowered:
.L_overlay_start_1:
0x0: {  	(tag) =	ssettag $0x1  }
0x1: {  	s0 =	stileid.u32;
	s1 =	srdreg.scid  }
0x2: {  	s4 =	rddreg [dreg:$0x0];
	s7 =	simm.s32 $0x1;
	s31 =	simm.s32 $0x2  }
0x3: {  	s15 =	simm.s32 $0x0;
	s2 =	sshll.u32 s0, $0x5;
	s1 =	sshll.u32 s1, $0x9  }
0x4: {  	s9 =	simm.s32 $0x2000;
	s14 =	simm.s32 $0x0;
	s1 =	sor.u32 s2, s1  }
0x5: {  	s16 =	simm.s32 $0x0;
	s10 =	simm.s32 $0x0;
	s2 =	sand.u32 $0x380, s1  }
0x6: {  	s13 =	simm.s32 $0x0;
	s3 =	sadd.s32 $0x48000, s4;
	s5 =	ssub.s32 $0x800, s2  }
0x7: {  	s4 =	sadd.s32 $0x248000, s4;
	s1 =	rddreg [dreg:$0x1];
	s6 =	sand.u32 $0x380, s5  }
.Ltmp0:
0x8: {  	_ =	strace $0x8000004D;
	p0 =	sne.s32 s6, $0x0;
	(pc) =	sbr.rel .LBB1_1-.Ltmp0, $4  }
0x9: {  	s11 =	smov.u32 s2;
	s8 =	sshrl.u32 s5, $0xA;
	s7 =	simm.s32 @!p0 $0x0  }
0xa: {  	s5 =	sand.u32 $0x3, s0;
	s6 =	simm.s32 $0x1;
	s7 =	sadd.s32 s7, s8  }
0xb: {  	s12 =	smov.u32 s5;
	[sflag:s6] =	ssyncpa.u1 $0x0;
	s7 =	sshll.u32 s7, $0x4  }
0xc: {  	p0 =	por $0x0, $0x0;
	[sflag:s31] =	ssyncpa.u1 $0x0;
	s8 =	sor.u32 $0x1, s7  }
.LBB1_4:
0xd: {  	v11 =	vld [tilespmem:s20+$0xFFFFFFE0];
	v12 =	vcombine.low v6, v7  }
0xe: {  	v3 =	vperm.xlane.i2c.b16 v3;
	[tilespmem:s22+$0x3870 ss:$0x81] =	vst.msk $0xffff, v9;
	v45 =	vld [tilespmem:s20+$0xFFFFFFF0];
	v4 =	vperm.xlane.i2c.b16 v4  }
0xf: {  	v46 =	vcombine.high v6, v7;
	[tilespmem:s19+$0x2040 ss:$0x81] =	vst.msk $0xffff, v10;
	v47 =	vld [tilespmem:s20+$0x0];
	v5 =	vperm.xlane.i2c.b16 v5  }
0x10: {  	v49 =	vld [tilespmem:s20+$0x10];
	v1 =	vperm.xlane.i2c.b16 v1;
	[tilespmem:s22+$0x810 ss:$0x81] =	vst.msk $0xffff, v12;
	v48 =	vcombine.low v8, v3  }
0x11: {  	v51 =	vld [tilespmem:s20+$0xFFFFFFC0];
	v58 =	vperm.xlane.i2c.b16 v2;
	v50 =	vcombine.low v4, v0;
	[tilespmem:s22+$0x2850 ss:$0x81] =	vst.msk $0xffff, v46  }
0x12: {  	s26 =	sshra.s32 s21, $0x2;
	v3 =	vcombine.high v8, v3;
	v52 =	vcombine.low v1, v5;
	[tilespmem:s22+$0x1020 ss:$0x81] =	vst.msk $0xffff, v48  }
0x13: {  	s17 =	sadd.s32 s26, s17;
	v1 =	vcombine.high v1, v5;
	v55 =	vcombine.high v4, v0;
	[tilespmem:s22+$0x0 ss:$0x81] =	vst.msk $0xffff, v50  }
0x14: {  	[tilespmem:s17+$0x1830 ss:$0x81] =	vst.msk $0xffff, v52;
	v11 =	vperm.xlane.i2c.b16 v11;
	v53 =	vperm.xlane.i2c.b16 v45  }
0x15: {  	[tilespmem:s22+$0x3060 ss:$0x81] =	vst.msk $0xffff, v3;
	v54 =	vperm.xlane.i2c.b16 v47;
	v57 =	vperm.xlane.i2c.b16 v49  }
0x16: {  	[tilespmem:s17+$0x3870 ss:$0x81] =	vst.msk $0xffff, v1;
	v60 =	vperm.xlane.i2c.b16 v51;
	v56 =	vcombine.low v11, v53  }
0x17: {  	[tilespmem:s22+$0x2040 ss:$0x81] =	vst.msk $0xffff, v55;
	v61 =	vcombine.low v54, v57  }
0x18: {  	s27 =	sshll.u32 s14, $0x3;
	s28 =	sshll.u32 s14, $0x1;
	s16 =	sshll.u32 s16, $0x13;
	v63 =	vcombine.low v60, v58;
	[tilespmem:s17+$0x810 ss:$0x81] =	vst.msk $0xffff, v56  }
0x19: {  	s15 =	sshll.u32 s15, $0xE;
	s29 =	sshrl.u32 s14, $0x1;
	s30 =	sand.u32 $0x7, s14;
	v59 =	vcombine.high v11, v53;
	[tilespmem:s17+$0x1020 ss:$0x81] =	vst.msk $0xffff, v61  }
0x1a: {  	s20 =	sand.u32 $0xF0, s28;
	s19 =	sand.u32 $0x400, s27;
	s16 =	sadd.s32 s4, s16;
	v62 =	vcombine.high v54, v57;
	[tilespmem:s17+$0x0 ss:$0x81] =	vst.msk $0xffff, v63  }
0x1b: {  	s19 =	sor.u32 s20, s19;
	s20 =	sand.u32 $0x3F80, s29;
	s15 =	sadd.s32 s15, s16;
	v0 =	vcombine.high v60, v58;
	[tilespmem:s17+$0x2850 ss:$0x81] =	vst.msk $0xffff, v59  }
0x1c: {  	s14 =	sshll.u32 s30, $0x12;
	s31 =	sshrl.u32 s19, $0x4;
	s15 =	sadd.s32 s20, s15;
	[tilespmem:s17+$0x3060 ss:$0x81] =	vst.msk $0xffff, v62  }
0x1d: {  	s14 =	sor.u32 $0x200, s14;
	s15 =	sadd.s32 s31, s15;
	[tilespmem:s17+$0x2040 ss:$0x81] =	vst.msk $0xffff, v0  }
0x1e: {  	[hbm4b:s15+s14] =	stream.strided.scatter [tilespmem:s18], [sflag:$0x2], $0x4000, s9, s14, $0x20;
	[tilespmem:$0x10100] =	vst v63  }
.LBB1_5:
0x1f: {  	s17 =	sadd.s32 $0x2, s10  }
0x20: {  	s14 =	sadd.s32 $0x400, s11;
	s18 =	smov.u32 s11;
	p2 =	sgt.s32 s17, $0x1F  }
0x21: {  	s18 =	smov.u32 @p2 s14  }
0x22: {  	s20 =	smov.u32 s12;
	s14 =	sadd.s32 $0x4, s12;
	p3 =	sgt.s32 s18, $0x7FF  }
0x23: {  	s20 =	smov.u32 @p3 s14  }
0x24: {  	s17 =	simm.s32 @p2 $0x0;
	p2 =	sgt.s32 s20, $0x3  }
0x25: {  	p1 =	slt.u32 s13, $0x2;
	s20 =	smov.u32 @p2 s5;
	p2 =	sne.s32 s13, s8  }
.Ltmp1:
0x26: {  	s19 =	simm.s32 @!p1 $0x2;
	(pc) =	sbr.rel @!p2 .LBB1_6-.Ltmp1, $4  }
0x27: {  	s15 =	smov.u32 s10;
	s16 =	smov.u32 s12;
	_ =	swait.ge @!p1 [sflag:s19], $0x4000  }
0x28: {  	p0 =	por !p0, !p0;
	[sflag:s19] =	ssyncset.done @!p1 $0x0;
	s10 =	smov.u32 s17  }
0x29: {  	s18 =	smov.u32 @p3 s2;
	s14 =	smov.u32 s11;
	[sflag:s19] =	ssyncadd.s32 @!p1 $0xFFFFC000  }
0x2a: {  	s11 =	smov.u32 s18;
	s13 =	sadd.s32 $0x1, s13;
	s12 =	smov.u32 s20  }
.LBB1_1:
0x2b: {  	p1 =	sge.u32 s13, s7;
	s31 =	sadd.s32 $0xFFFFFFFF, s13  }
0x2c: {  	s17 =	sshll.u32 @!p1 s12, $0x13;
	s18 =	sshll.u32 @!p1 s11, $0x8;
	s19 =	sshll.u32 @!p1 s10, $0x3  }
0x2d: {  	s20 =	sxor.u32 @!p1 $0xFFFFFFFF, s13;
	s17 =	sadd.s32 @!p1 s3, s17;
	s19 =	sand.u32 @!p1 $0xF0, s19  }
0x2e: {  	s17 =	sadd.s32 @!p1 s18, s17;
	s18 =	sshll.u32 @!p1 s20, $0xE;
	s20 =	simm.s32 @!p1 $0x800  }
0x2f: {  	s17 =	sadd.s32 @!p1 s19, s17;
	s18 =	sand.u32 @!p1 $0x4000, s18;
	s19 =	simm.s32 @!p1 $0x80  }
0x30: {  	[tilespmem:s18], [sflag:$0x1] =	stream.strided.gather @!p1 [hbm4b:s17+s19], $0x4000, s20, s19, $0x38;
	[tilespmem:$0x10100] =	vst v63  }
0x31: {  	p1 =	sge.u32 s31, s7  }
.Ltmp2:
0x32: {  	_ = 	snop;
	(pc) =	sbr.rel @p1 .LBB1_5-.Ltmp2, $1  }
0x33: {  	_ =	sdelay $0x3  }
0x34: {  	s17 =	simm.s32 $0x1  }
0x35: {  	_ =	swait.ge [sflag:s6], $0x4000;
	s17 =	simm.s32 @!p0 $0x0  }
0x36: {  	[sflag:s6] =	ssyncset.done $0x0;
	s18 =	sshll.u32 s17, $0xE  }
0x37: {  	[sflag:s6] =	ssyncadd.s32 $0xFFFFC000;
	s18 =	sor.u32 $0x40, s18  }
0x38: {  	v0 =	vld [tilespmem:s18+$0x20]  }
0x39: {  	v1 =	vld [tilespmem:s18+$0x30]  }
0x3a: {  	v2 =	vld [tilespmem:s18+$0xFFFFFFD0]  }
0x3b: {  	v3 =	vld [tilespmem:s18+$0xFFFFFFE0]  }
0x3c: {  	v4 =	vld [tilespmem:s18+$0xFFFFFFF0]  }
0x3d: {  	v5 =	vld [tilespmem:s18+$0x0]  }
0x3e: {  	v6 =	vld [tilespmem:s18+$0x10]  }
0x3f: {  	v7 =	vld [tilespmem:s18+$0xFFFFFFC0]  }
0x40: {  	s17 =	smul.u32 $0x10200, s17;
	v1 =	vperm.xlane.i2c.b16 v1;
	v0 =	vperm.xlane.i2c.b16 v0  }
0x41: {  	s18 =	sadd.s32 $0x80, s18;
	v10 =	vperm.xlane.i2c.b16 v2;
	v3 =	vperm.xlane.i2c.b16 v3  }
0x42: {  	s17 =	sshrl.u32 s17, $0x2;
	v9 =	vld [tilespmem:s18+$0x30];
	v4 =	vperm.xlane.i2c.b16 v4;
	v5 =	vperm.xlane.i2c.b16 v5  }
0x43: {  	s17 =	sor.u32 $0x8000, s17;
	v2 =	vld [tilespmem:s18+$0x20];
	v6 =	vperm.xlane.i2c.b16 v6;
	v8 =	vcombine.low v0, v1  }
0x44: {  	v12 =	vld [tilespmem:s18+$0xFFFFFFF0];
	s19 =	sadd.s32 $0x0, s17;
	v13 =	vperm.xlane.i2c.b16 v7;
	v11 =	vcombine.low v3, v4  }
0x45: {  	v0 =	vcombine.high v0, v1;
	v1 =	vld [tilespmem:s18+$0xFFFFFFD0];
	v7 =	vcombine.low v5, v6;
	[tilespmem:s19+$0x1830 ss:$0x81] =	vst.msk $0xffff, v8  }
0x46: {  	v8 =	vld [tilespmem:s18+$0xFFFFFFE0];
	[tilespmem:s19+$0x810 ss:$0x81] =	vst.msk $0xffff, v11  }
0x47: {  	v14 =	vld [tilespmem:s18+$0x0];
	v9 =	vperm.xlane.i2c.b16 v9;
	v5 =	vcombine.high v5, v6;
	[tilespmem:s19+$0x1020 ss:$0x81] =	vst.msk $0xffff, v7  }
0x48: {  	s20 =	sand.u32 $0x1, s13;
	[tilespmem:s19+$0x3870 ss:$0x81] =	vst.msk $0xffff, v0;
	v0 =	vcombine.high v3, v4;
	v3 =	vld [tilespmem:s18+$0x10];
	v2 =	vperm.xlane.i2c.b16 v2  }
0x49: {  	s21 =	smul.u32 $0x10200, s20;
	s20 =	sadd.s32 $0x80, s18;
	v11 =	vcombine.low v13, v10;
	v7 =	vperm.xlane.i2c.b16 v12;
	v4 =	vld [tilespmem:s18+$0xFFFFFFC0];
	[tilespmem:s19+$0x3060 ss:$0x81] =	vst.msk $0xffff, v5  }
0x4a: {  	v5 =	vld [tilespmem:s20+$0x30];
	[tilespmem:s19+$0x2850 ss:$0x81] =	vst.msk $0xffff, v0;
	v0 =	vperm.xlane.i2c.b16 v1;
	v15 =	vcombine.low v2, v9  }
0x4b: {  	s31 =	sshrl.u32 s21, $0x2;
	s22 =	sadd.s32 $0x1, s17;
	[tilespmem:s19+$0x0 ss:$0x81] =	vst.msk $0xffff, v11;
	v1 =	vld [tilespmem:s20+$0x20];
	v9 =	vcombine.high v2, v9;
	v6 =	vperm.xlane.i2c.b16 v8  }
0x4c: {  	s23 =	simm.s32 $0xC;
	s21 =	simm.s32 $0x8;
	v10 =	vcombine.high v13, v10;
	s18 =	sor.u32 $0x8000, s31;
	v2 =	vld [tilespmem:s20+$0xFFFFFFD0];
	v8 =	vperm.xlane.i2c.b16 v14;
	[tilespmem:s22+$0x1830 ss:$0x81] =	vst.msk $0xffff, v15  }
.LBB1_3:
0x4d: {  	p1 =	sne.s32 s23, $0x1FC;
	v11 =	vld [tilespmem:s20+$0xFFFFFFE0];
	v12 =	vcombine.low v6, v7;
	v3 =	vperm.xlane.i2c.b16 v3;
	[tilespmem:s22+$0x3870 ss:$0x81] =	vst.msk $0xffff, v9  }
0x4e: {  	v13 =	vperm.xlane.i2c.b16 v4;
	v4 =	vcombine.high v6, v7;
	v9 =	vld [tilespmem:s20+$0xFFFFFFF0];
	[tilespmem:s19+$0x2040 ss:$0x81] =	vst.msk $0xffff, v10;
	s19 =	smov.u32 s22  }
0x4f: {  	v10 =	vld [tilespmem:s20+$0x0];
	[tilespmem:s19+$0x810 ss:$0x81] =	vst.msk $0xffff, v12;
	v6 =	vcombine.low v8, v3;
	v7 =	vcombine.high v8, v3  }
.Ltmp3:
0x50: {  	v8 =	vperm.xlane.i2c.b16 v5;
	v12 =	vperm.xlane.i2c.b16 v1;
	v3 =	vld [tilespmem:s20+$0x10];
	[tilespmem:s19+$0x2850 ss:$0x81] =	vst.msk $0xffff, v4;
	(pc) =	sbr.rel @p1 .LBB1_3-.Ltmp3, $4  }
0x51: {  	v14 =	vperm.xlane.i2c.b16 v2;
	v2 =	vcombine.low v13, v0;
	v4 =	vld [tilespmem:s20+$0xFFFFFFC0];
	s20 =	sadd.s32 $0x80, s20;
	[tilespmem:s19+$0x1020 ss:$0x81] =	vst.msk $0xffff, v6  }
0x52: {  	s22 =	sshra.s32 s21, $0x2;
	s21 =	smov.u32 s23;
	v1 =	vld [tilespmem:s20+$0x20];
	v6 =	vperm.xlane.i2c.b16 v11;
	v11 =	vcombine.low v12, v8;
	[tilespmem:s19+$0x3060 ss:$0x81] =	vst.msk $0xffff, v7  }
0x53: {  	s22 =	sadd.s32 s22, s17;
	v5 =	vld [tilespmem:s20+$0x30];
	v7 =	vperm.xlane.i2c.b16 v9;
	v9 =	vcombine.high v12, v8;
	[tilespmem:s19+$0x0 ss:$0x81] =	vst.msk $0xffff, v2  }
0x54: {  	s23 =	sadd.s32 $0x4, s23;
	v2 =	vld [tilespmem:s20+$0xFFFFFFD0];
	v8 =	vperm.xlane.i2c.b16 v10;
	[tilespmem:s22+$0x1830 ss:$0x81] =	vst.msk $0xffff, v11;
	v10 =	vcombine.high v13, v0;
	v0 =	vmov v14  }
.Ltmp4:
0x55: {  	_ = 	snop;
	(pc) =	sbr.rel .LBB1_4-.Ltmp4, $1  }
0x56: {  	_ =	sdelay $0x3  }
.LBB1_6:
0x57: {  	_ =	sfence.sel $0x180000  }
0x58: {  	s2 =	simm.s32 $0x1;
	[bflag:$0x0] =	sbarrier.arrive $0xFFFF  }
0x59: {  	s31 =	simm.s32 $0x2;
	[sflag:s2] =	ssyncpa.u1 $0x1  }
0x5a: {  	[sflag:s31] =	ssyncpa.u1 $0x1  }
0x5b: {  	p0 =	sne.s32 s0, $0x0;
	_ =	strace $0x9000004D  }
0x5c: {  	s0 =	sadd.s32 @!p0 $0x100000, s1;
	[bflag:$0x2] =	sbarrier.arrive $0xFFFF  }
0x5d: {  	[sflag:s0] =	ssyncadd.tile.s32 @!p0 $0x1;
	_ =	shalt  }
.Lfunc_end1:
_tile_overlayer_lowered:
.L_overlay_start_2:
0x5e: {  	(tag) =	ssettag $0x2  }
0x5f: {  	s0 =	rddreg [dreg:$0x0];
	s2 =	stileid.u32  }
0x60: {  	s1 =	rddreg [dreg:$0x1];
	p0 =	sne.s32 s2, $0x0  }
0x61: {  	s3 =	rddreg [dreg:$0x2];
	[bflag:$0x3] =	sbarrier.arrive $0xFFFF;
	s2 =	simm.s32 @!p0 $0x1C01  }
0x62: {  	[timem:s3], [sflag:s2] =	dma.local @!p0 [hbm:s0], s1  }
0x63: {  	s0 =	simm.s32 @!p0 $0x1  }
0x64: {  	_ =	swait.ge @!p0 [sflag:s0], s1  }
0x65: {  	s1 =	ssub.s32 @!p0 $0x0, s1;
	[sflag:s0] =	ssyncset.done @!p0 $0x0  }
0x66: {  	[sflag:s0] =	ssyncadd.s32 @!p0 s1  }
0x67: {  	[bflag:$0x3] =	sbarrier.arrive $0xFFFF  }
0x68: {  	_ =	shalt  }

// kernel: sparse-core-data-format-call.2.cloned.1.call-start
scs
called_computation.2_lowered:
.L_overlay_start_0:
0x0: {  	s1 =	sld [smem:$0x3FD9]  }
0x1: {  	s2 =	sld [smem:$0x3FFE];
	_ =	sdelay $0x1  }
0x2: {  	s3 =	srdreg.scid  }
0x3: {  	s0 =	sand.u32 $0x1, s3  }
0x4: {  	s17 =	sshll.u32 s0, $0xA;
	s1 =	sadd.s32 s2, s1  }
0x5: {  	s1 =	sadd.s32 s1, s17  }
0x6: {  	[smem:$0x3FB9] =	sst s1  }
0x7: {  	_ = 	snop  }
0x8: {  	(tm) =	ssettm $0x1  }
0x9: {  	s18 =	sld [smem:$0x3FFB];
	_ =	sdelay $0x3  }
0xa: {  	_ =	strace s18  }
0xb: {  	s1 =	sld [smem:$0x3FFC];
	_ =	sdelay $0x3  }
0xc: {  	_ =	strace s1  }
0xd: {  	s1 =	sld [smem:$0x3FFD];
	_ =	sdelay $0x3  }
0xe: {  	_ =	strace s1  }
0xf: {  	_ =	strace $0x8FFFFFFF  }
0x10: {  	s19 =	sld [smem:$0x3FDB];
	_ =	sdelay $0x1  }
0x11: {  	s20 =	simm.s32 $_scs_section_size  }
0x12: {  	s4 =	simm.s32 $_size__tile_overlayer_lowered;
	s5 =	simm.s32 $_tile_overlayer_lowered  }
0x13: {  	s23 =	simm.s32 $0x1BFF;
	s22 =	sshll.u32 s5, $0x1;
	s1 =	sadd.s32 s20, s19  }
0x14: {  	s6 =	simm.s32 $0x0;
	s21 =	sshll.u32 s4, $0x1;
	s4 =	sadd.s32 s22, s1  }
0x15: {  	[timem:s6], [sflag:s23] =	dma.local [hbm:s4], s21  }
0x16: {  	_ =	swait.ge [sflag:s23], s21  }
0x17: {  	s2 =	ssub.s32 $0x0, s21;
	[sflag:s23] =	ssyncset.done $0x0  }
0x18: {  	[sflag:s23] =	ssyncadd.s32 s2;
	_ =	sdelay $0x1  }
0x19: {  	s24 =	simm.s32 $0x1B8B  }
0x1a: {  	_ =	swait.ge [sflag:s24], $0x1  }
0x1b: {  	[sflag:s24] =	ssyncset.done $0x0  }
0x1c: {  	s26 =	simm.s32 $0x1B8E;
	s25 =	sld [smem:$0x3FFE];
	[sflag:s24] =	ssyncadd.s32 $0xFFFFFFFF  }
0x1d: {  	s27 =	simm.s32 $execute0_lowered;
	[smem:$0x3FD2] =	sst s26  }
0x1e: {  	s4 =	sshll.u32 s27, $0x1;
	_ =	strace $0x80000049;
	[dreg:$0x1] =	wrdreg $0xFFFFFFFF  }
0x1f: {  	s28 =	simm.s32 $_size_execute0_lowered;
	s1 =	sadd.s32 s1, s4;
	[dreg:$0x0] =	wrdreg $0x0  }
0x20: {  	s4 =	sshll.u32 s28, $0x1;
	[dreg:$0x2] =	wrdreg s1  }
0x21: {  	[dreg:$0x3] =	wrdreg s4  }
0x22: {  	[dreg:$0x4] =	wrdreg $0xC0  }
0x23: {  	_ =	task [dreg:s6], $0x5FFFF  }
0x24: {  	[dreg:$0x1] =	wrdreg $0xFFFFFFFF  }
0x25: {  	[dreg:$0x0] =	wrdreg $0x60  }
0x26: {  	[dreg:$0x2] =	wrdreg s25  }
0x27: {  	[dreg:$0x3] =	wrdreg $0x9  }
0x28: {  	_ =	task.clear_ibuf [dreg:s6], $0x4FFFF;
	_ =	strace $0x90000049  }
0x29: {  	s29 =	simm.s32 $0x9;
	_ =	strace $0x8000004B  }
0x2a: {  	_ =	swait.ge [sflag:s29], $0x1  }
0x2b: {  	[sflag:s29] =	ssyncadd.s32 $0xFFFFFFFF  }
0x2c: {  	_ =	strace $0x9000004B  }
0x2d: {  	_ =	sfence  }
0x2e: {  	s30 =	sld [smem:$0x0];
	_ =	sdelay $0x2  }
0x2f: {  	s31 =	sshll.u32 s3, $0xD;
	s3 =	sshrl.u32 s3, $0x2  }
0x30: {  	s2 =	sand.u32 $0x4000, s31;
	s1 =	sadd.s32 s3, s30  }
0x31: {  	s0 =	sor.u32 s2, s0;
	s1 =	sshll.u32 s1, $0x11  }
0x32: {  	s0 =	sor.u32 s1, s0  }
0x33: {  	s0 =	sadd.s32 $0x8F2B, s0  }
0x34: {  	[sflag:s0] =	ssyncadd.remote.s32 $0x1  }
0x35: {  	_ =	sfence.sel $0xFFFF  }
0x36: {  	[dreg:$0x0] =	wrdreg $0xFFFFFFFF;
	(pc) =	sbr.abs _section_cstart, $3  }
0x37: {  	[dreg:$0x1] =	wrdreg $0xFFFFFFFF  }
0x38: {  	_ =	task.clear_ibuf [dreg:s6], $0x2FFFF;
	_ =	strace $0x9FFFFFFF  }
0x39: {  	(tm) =	ssettm $0x7FFFFFFF  }
tec
execute0_lowered:
.L_overlay_start_1:
0x0: {  	(tag) =	ssettag $0x1  }
0x1: {  	s0 =	stileid.u32;
	s1 =	srdreg.scid  }
0x2: {  	s4 =	rddreg [dreg:$0x0];
	s7 =	simm.s32 $0x1;
	s31 =	simm.s32 $0x2  }
0x3: {  	s16 =	simm.s32 $0x0;
	s2 =	sshll.u32 s0, $0x5;
	s1 =	sshll.u32 s1, $0x9  }
0x4: {  	s9 =	simm.s32 $0x4000;
	s14 =	simm.s32 $0x0;
	s1 =	sor.u32 s2, s1  }
0x5: {  	s15 =	simm.s32 $0x0;
	s10 =	simm.s32 $0x0;
	s2 =	sand.u32 $0x380, s1  }
0x6: {  	s13 =	simm.s32 $0x0;
	s3 =	sadd.s32 $0x40000, s4;
	s5 =	ssub.s32 $0x800, s2  }
0x7: {  	s4 =	sadd.s32 $0x240000, s4;
	s1 =	rddreg [dreg:$0x1];
	s6 =	sand.u32 $0x380, s5  }
.Ltmp0:
0x8: {  	_ =	strace $0x8000004A;
	p0 =	sne.s32 s6, $0x0;
	(pc) =	sbr.rel .LBB1_1-.Ltmp0, $4  }
0x9: {  	s11 =	smov.u32 s2;
	s8 =	sshrl.u32 s5, $0xA;
	s7 =	simm.s32 @!p0 $0x0  }
0xa: {  	s5 =	sand.u32 $0x3, s0;
	s6 =	simm.s32 $0x1;
	s7 =	sadd.s32 s7, s8  }
0xb: {  	s12 =	smov.u32 s5;
	[sflag:s6] =	ssyncpa.u1 $0x0;
	s7 =	sshll.u32 s7, $0x4  }
0xc: {  	p0 =	por $0x0, $0x0;
	[sflag:s31] =	ssyncpa.u1 $0x0;
	s8 =	sor.u32 $0x1, s7  }
.LBB1_4:
0xd: {  	v5 =	vld [tilespmem:s19+$0xFFFFFFD0]  }
0xe: {  	[tilespmem:s20+$0x2040 ss:$0x81] =	vst.msk $0xffff, v1;
	v58 =	vld [tilespmem:s19+$0xFFFFFFE0]  }
0xf: {  	[tilespmem:s20+$0x2850 ss:$0x81] =	vst.msk $0xffff, v2;
	v59 =	vld [tilespmem:s19+$0xFFFFFFF0]  }
0x10: {  	s21 =	sshra.s32 s21, $0x2;
	[tilespmem:s20+$0x3060 ss:$0x81] =	vst.msk $0xffff, v3;
	v60 =	vld [tilespmem:s19+$0x0]  }
0x11: {  	[tilespmem:s20+$0x0 ss:$0x81] =	vst.msk $0xffff, v0;
	v61 =	vld [tilespmem:s19+$0x10];
	s18 =	sadd.s32 s21, s18  }
0x12: {  	s26 =	sshll.u32 s16, $0xB;
	v62 =	vld [tilespmem:s19+$0x20];
	[tilespmem:s18+$0x3870 ss:$0x81] =	vst.msk $0xffff, v4  }
0x13: {  	s27 =	sand.u32 $0x78, s14;
	s22 =	sshll.u32 s14, $0x3;
	v63 =	vld [tilespmem:s19+$0xFFFFFFC0];
	s29 =	sshll.u32 s16, $0x7;
	[tilespmem:s18+$0x810 ss:$0x81] =	vst.msk $0xffff, v5  }
0x14: {  	s15 =	sshll.u32 s15, $0x13;
	s20 =	sand.u32 $0x3FC000, s26;
	s28 =	sand.u32 $0x3FFC00, s22;
	[tilespmem:s18+$0x1020 ss:$0x81] =	vst.msk $0xffff, v58  }
0x15: {  	s31 =	sand.u32 $0x7, s14;
	s22 =	sand.u32 $0x400, s22;
	s19 =	sadd.s32 s28, s20;
	[tilespmem:s18+$0x1830 ss:$0x81] =	vst.msk $0xffff, v59  }
0x16: {  	s16 =	sand.u32 $0x380, s29;
	s30 =	sor.u32 s27, s22;
	s19 =	sshrl.u32 s19, $0x3;
	[tilespmem:s18+$0x2040 ss:$0x81] =	vst.msk $0xffff, v60  }
0x17: {  	s15 =	sadd.s32 s4, s15;
	s16 =	sor.u32 s16, s30;
	s19 =	sand.u32 $0x7FF00, s19;
	[tilespmem:s18+$0x2850 ss:$0x81] =	vst.msk $0xffff, v61  }
0x18: {  	s14 =	sshll.u32 s31, $0x12;
	s16 =	sshrl.u32 s16, $0x3;
	[tilespmem:s18+$0x3060 ss:$0x81] =	vst.msk $0xffff, v62;
	s15 =	sadd.s32 s19, s15  }
0x19: {  	s14 =	sor.u32 $0x400, s14;
	[tilespmem:s18+$0x0 ss:$0x81] =	vst.msk $0xffff, v63;
	s15 =	sadd.s32 s16, s15  }
0x1a: {  	[hbm4b:s15+s14] =	stream.strided.scatter [tilespmem:s17], [sflag:$0x2], $0x4000, s9, s14, $0x20;
	[tilespmem:$0x10100] =	vst v63  }
.LBB1_5:
0x1b: {  	s17 =	sadd.s32 $0x80, s10  }
0x1c: {  	s14 =	sadd.s32 $0x400, s11;
	s18 =	smov.u32 s11;
	p2 =	sgt.s32 s17, $0x7FF  }
0x1d: {  	s18 =	smov.u32 @p2 s14  }
0x1e: {  	s20 =	smov.u32 s12;
	s14 =	sadd.s32 $0x4, s12;
	p3 =	sgt.s32 s18, $0x7FF  }
0x1f: {  	s20 =	smov.u32 @p3 s14  }
0x20: {  	s17 =	simm.s32 @p2 $0x0;
	p2 =	sgt.s32 s20, $0x3  }
0x21: {  	p1 =	slt.u32 s13, $0x2;
	s20 =	smov.u32 @p2 s5;
	p2 =	sne.s32 s13, s8  }
.Ltmp1:
0x22: {  	s19 =	simm.s32 @!p1 $0x2;
	(pc) =	sbr.rel @!p2 .LBB1_6-.Ltmp1, $4  }
0x23: {  	s16 =	smov.u32 s10;
	s15 =	smov.u32 s12;
	_ =	swait.ge @!p1 [sflag:s19], $0x4000  }
0x24: {  	p0 =	por !p0, !p0;
	[sflag:s19] =	ssyncset.done @!p1 $0x0;
	s10 =	smov.u32 s17  }
0x25: {  	s18 =	smov.u32 @p3 s2;
	s14 =	smov.u32 s11;
	[sflag:s19] =	ssyncadd.s32 @!p1 $0xFFFFC000  }
0x26: {  	s11 =	smov.u32 s18;
	s13 =	sadd.s32 $0x1, s13;
	s12 =	smov.u32 s20  }
.LBB1_1:
0x27: {  	p1 =	sge.u32 s13, s7;
	s31 =	sadd.s32 $0xFFFFFFFF, s13  }
0x28: {  	s17 =	sxor.u32 @!p1 $0xFFFFFFFF, s13;
	s18 =	sand.u32 @!p1 $0x78, s10;
	s19 =	sshll.u32 @!p1 s11, $0xB  }
0x29: {  	s20 =	sshll.u32 @!p1 s11, $0x7;
	s21 =	sshll.u32 @!p1 s10, $0x3;
	s17 =	sshll.u32 @!p1 s17, $0xE  }
0x2a: {  	s19 =	sand.u32 @!p1 $0x3FC000, s19;
	s20 =	sand.u32 @!p1 $0x380, s20;
	s17 =	sand.u32 @!p1 $0x4000, s17  }
0x2b: {  	s19 =	sadd.s32 @!p1 s19, s21;
	s21 =	sand.u32 @!p1 $0x400, s21;
	s18 =	sor.u32 @!p1 s20, s18  }
0x2c: {  	s20 =	sshll.u32 @!p1 s12, $0x13;
	s18 =	sor.u32 @!p1 s21, s18;
	s19 =	sshrl.u32 @!p1 s19, $0x3  }
0x2d: {  	s20 =	sadd.s32 @!p1 s3, s20;
	s21 =	sand.u32 @!p1 $0x7, s10;
	s19 =	sand.u32 @!p1 $0x7FF00, s19  }
0x2e: {  	s18 =	sshrl.u32 @!p1 s18, $0x3;
	s19 =	sadd.s32 @!p1 s19, s20;
	s20 =	sshll.u32 @!p1 s21, $0x12  }
0x2f: {  	s18 =	sadd.s32 @!p1 s18, s19;
	s19 =	sor.u32 @!p1 $0x400, s20;
	s20 =	simm.s32 @!p1 $0x4000  }
0x30: {  	[tilespmem:s17], [sflag:$0x1] =	stream.strided.gather @!p1 [hbm4b:s18+s19], $0x4000, s20, s19, $0x38;
	[tilespmem:$0x10100] =	vst v63  }
0x31: {  	p1 =	sge.u32 s31, s7  }
.Ltmp2:
0x32: {  	_ = 	snop;
	(pc) =	sbr.rel @p1 .LBB1_5-.Ltmp2, $1  }
0x33: {  	_ =	sdelay $0x3  }
0x34: {  	s17 =	simm.s32 $0x1  }
0x35: {  	_ =	swait.ge [sflag:s6], $0x4000;
	s17 =	simm.s32 @!p0 $0x0  }
0x36: {  	[sflag:s6] =	ssyncset.done $0x0;
	s18 =	sshll.u32 s17, $0xE  }
0x37: {  	[sflag:s6] =	ssyncadd.s32 $0xFFFFC000;
	s19 =	sor.u32 $0x40, s18  }
0x38: {  	s17 =	smul.u32 $0x10200, s17;
	v0 =	vld [tilespmem:s19+$0x30]  }
0x39: {  	v3 =	vld [tilespmem:s19+$0xFFFFFFD0]  }
0x3a: {  	s17 =	sshrl.u32 s17, $0x2;
	v4 =	vld [tilespmem:s19+$0xFFFFFFE0]  }
0x3b: {  	v5 =	vld [tilespmem:s19+$0xFFFFFFF0];
	s18 =	sor.u32 $0x8000, s17  }
0x3c: {  	s31 =	sand.u32 $0x1, s13;
	v1 =	vld [tilespmem:s19+$0x0];
	s20 =	sadd.s32 $0x0, s18  }
0x3d: {  	v2 =	vld [tilespmem:s19+$0x10];
	s17 =	smul.u32 $0x10200, s31;
	[tilespmem:s20+$0x3870 ss:$0x81] =	vst.msk $0xffff, v0  }
0x3e: {  	[tilespmem:s20+$0x810 ss:$0x81] =	vst.msk $0xffff, v3;
	v3 =	vld [tilespmem:s19+$0x20]  }
0x3f: {  	s17 =	sshrl.u32 s17, $0x2;
	v0 =	vld [tilespmem:s19+$0xFFFFFFC0];
	[tilespmem:s20+$0x1020 ss:$0x81] =	vst.msk $0xffff, v4;
	s19 =	sadd.s32 $0x80, s19  }
0x40: {  	s21 =	simm.s32 $0x4;
	s22 =	simm.s32 $0x8;
	s17 =	sor.u32 $0x8000, s17;
	[tilespmem:s20+$0x1830 ss:$0x81] =	vst.msk $0xffff, v5;
	v4 =	vld [tilespmem:s19+$0x30]  }
.LBB1_3:
0x41: {  	p1 =	sne.s32 s22, $0x1FC;
	v5 =	vld [tilespmem:s19+$0xFFFFFFD0];
	[tilespmem:s20+$0x2040 ss:$0x81] =	vst.msk $0xffff, v1  }
0x42: {  	v6 =	vld [tilespmem:s19+$0xFFFFFFE0];
	[tilespmem:s20+$0x2850 ss:$0x81] =	vst.msk $0xffff, v2  }
0x43: {  	s23 =	sshra.s32 s21, $0x2;
	s21 =	smov.u32 s22;
	v7 =	vld [tilespmem:s19+$0xFFFFFFF0];
	[tilespmem:s20+$0x3060 ss:$0x81] =	vst.msk $0xffff, v3  }
.Ltmp3:
0x44: {  	v1 =	vld [tilespmem:s19+$0x0];
	[tilespmem:s20+$0x0 ss:$0x81] =	vst.msk $0xffff, v0;
	s20 =	sadd.s32 s23, s18;
	(pc) =	sbr.rel @p1 .LBB1_3-.Ltmp3, $4  }
0x45: {  	v2 =	vld [tilespmem:s19+$0x10];
	[tilespmem:s20+$0x3870 ss:$0x81] =	vst.msk $0xffff, v4  }
0x46: {  	[tilespmem:s20+$0x810 ss:$0x81] =	vst.msk $0xffff, v5;
	v3 =	vld [tilespmem:s19+$0x20]  }
0x47: {  	v0 =	vld [tilespmem:s19+$0xFFFFFFC0];
	[tilespmem:s20+$0x1020 ss:$0x81] =	vst.msk $0xffff, v6;
	s19 =	sadd.s32 $0x80, s19  }
0x48: {  	s22 =	sadd.s32 $0x4, s22;
	v4 =	vld [tilespmem:s19+$0x30];
	[tilespmem:s20+$0x1830 ss:$0x81] =	vst.msk $0xffff, v7  }
.Ltmp4:
0x49: {  	_ = 	snop;
	(pc) =	sbr.rel .LBB1_4-.Ltmp4, $1  }
0x4a: {  	_ =	sdelay $0x3  }
.LBB1_6:
0x4b: {  	_ =	sfence.sel $0x180000  }
0x4c: {  	s2 =	simm.s32 $0x1;
	[bflag:$0x0] =	sbarrier.arrive $0xFFFF  }
0x4d: {  	s31 =	simm.s32 $0x2;
	[sflag:s2] =	ssyncpa.u1 $0x1  }
0x4e: {  	[sflag:s31] =	ssyncpa.u1 $0x1  }
0x4f: {  	p0 =	sne.s32 s0, $0x0;
	_ =	strace $0x9000004A  }
0x50: {  	s0 =	sadd.s32 @!p0 $0x100000, s1;
	[bflag:$0x2] =	sbarrier.arrive $0xFFFF  }
0x51: {  	[sflag:s0] =	ssyncadd.tile.s32 @!p0 $0x1;
	_ =	shalt  }
.Lfunc_end1:
_tile_overlayer_lowered:
.L_overlay_start_2:
0x52: {  	(tag) =	ssettag $0x2  }
0x53: {  	s0 =	rddreg [dreg:$0x0];
	s2 =	stileid.u32  }
0x54: {  	s1 =	rddreg [dreg:$0x1];
	p0 =	sne.s32 s2, $0x0  }
0x55: {  	s3 =	rddreg [dreg:$0x2];
	[bflag:$0x3] =	sbarrier.arrive $0xFFFF;
	s2 =	simm.s32 @!p0 $0x1C01  }
0x56: {  	[timem:s3], [sflag:s2] =	dma.local @!p0 [hbm:s0], s1  }
0x57: {  	s0 =	simm.s32 @!p0 $0x1  }
0x58: {  	_ =	swait.ge @!p0 [sflag:s0], s1  }
0x59: {  	s1 =	ssub.s32 @!p0 $0x0, s1;
	[sflag:s0] =	ssyncset.done @!p0 $0x0  }
0x5a: {  	[sflag:s0] =	ssyncadd.s32 @!p0 s1  }
0x5b: {  	[bflag:$0x3] =	sbarrier.arrive $0xFFFF  }
0x5c: {  	_ =	shalt  }

// kernel: sparse-core-data-format-call.cloned.1.call-start
scs
called_computation_lowered:
.L_overlay_start_0:
0x0: {  	s1 =	sld [smem:$0x3FD9]  }
0x1: {  	s2 =	sld [smem:$0x3FFE];
	_ =	sdelay $0x1  }
0x2: {  	s3 =	srdreg.scid  }
0x3: {  	s0 =	sand.u32 $0x1, s3  }
0x4: {  	s17 =	sshll.u32 s0, $0xA;
	s1 =	sadd.s32 s2, s1  }
0x5: {  	s1 =	sadd.s32 s1, s17  }
0x6: {  	[smem:$0x3FB9] =	sst s1  }
0x7: {  	_ = 	snop  }
0x8: {  	(tm) =	ssettm $0x1  }
0x9: {  	s18 =	sld [smem:$0x3FFB];
	_ =	sdelay $0x3  }
0xa: {  	_ =	strace s18  }
0xb: {  	s1 =	sld [smem:$0x3FFC];
	_ =	sdelay $0x3  }
0xc: {  	_ =	strace s1  }
0xd: {  	s1 =	sld [smem:$0x3FFD];
	_ =	sdelay $0x3  }
0xe: {  	_ =	strace s1  }
0xf: {  	_ =	strace $0x8FFFFFFF  }
0x10: {  	s19 =	sld [smem:$0x3FDB];
	_ =	sdelay $0x1  }
0x11: {  	s20 =	simm.s32 $_scs_section_size  }
0x12: {  	s4 =	simm.s32 $_size__tile_overlayer_lowered;
	s5 =	simm.s32 $_tile_overlayer_lowered  }
0x13: {  	s23 =	simm.s32 $0x1BFF;
	s22 =	sshll.u32 s5, $0x1;
	s1 =	sadd.s32 s20, s19  }
0x14: {  	s6 =	simm.s32 $0x0;
	s21 =	sshll.u32 s4, $0x1;
	s4 =	sadd.s32 s22, s1  }
0x15: {  	[timem:s6], [sflag:s23] =	dma.local [hbm:s4], s21  }
0x16: {  	_ =	swait.ge [sflag:s23], s21  }
0x17: {  	s2 =	ssub.s32 $0x0, s21;
	[sflag:s23] =	ssyncset.done $0x0  }
0x18: {  	[sflag:s23] =	ssyncadd.s32 s2;
	_ =	sdelay $0x1  }
0x19: {  	s24 =	simm.s32 $0x1B8B  }
0x1a: {  	_ =	swait.ge [sflag:s24], $0x1  }
0x1b: {  	[sflag:s24] =	ssyncset.done $0x0  }
0x1c: {  	s26 =	simm.s32 $0x1B8E;
	s25 =	sld [smem:$0x3FFE];
	[sflag:s24] =	ssyncadd.s32 $0xFFFFFFFF  }
0x1d: {  	s27 =	simm.s32 $execute0_lowered;
	[smem:$0x3FD2] =	sst s26  }
0x1e: {  	s4 =	sshll.u32 s27, $0x1;
	_ =	strace $0x8000004F;
	[dreg:$0x1] =	wrdreg $0xFFFFFFFF  }
0x1f: {  	s28 =	simm.s32 $_size_execute0_lowered;
	s1 =	sadd.s32 s1, s4;
	[dreg:$0x0] =	wrdreg $0x0  }
0x20: {  	s4 =	sshll.u32 s28, $0x1;
	[dreg:$0x2] =	wrdreg s1  }
0x21: {  	[dreg:$0x3] =	wrdreg s4  }
0x22: {  	[dreg:$0x4] =	wrdreg $0xC0  }
0x23: {  	_ =	task [dreg:s6], $0x5FFFF  }
0x24: {  	[dreg:$0x1] =	wrdreg $0xFFFFFFFF  }
0x25: {  	[dreg:$0x0] =	wrdreg $0x60  }
0x26: {  	[dreg:$0x2] =	wrdreg s25  }
0x27: {  	[dreg:$0x3] =	wrdreg $0x9  }
0x28: {  	_ =	task.clear_ibuf [dreg:s6], $0x4FFFF;
	_ =	strace $0x9000004F  }
0x29: {  	s29 =	simm.s32 $0x9;
	_ =	strace $0x80000051  }
0x2a: {  	_ =	swait.ge [sflag:s29], $0x1  }
0x2b: {  	[sflag:s29] =	ssyncadd.s32 $0xFFFFFFFF  }
0x2c: {  	_ =	strace $0x90000051  }
0x2d: {  	_ =	sfence  }
0x2e: {  	s30 =	sld [smem:$0x0];
	_ =	sdelay $0x2  }
0x2f: {  	s31 =	sshll.u32 s3, $0xD;
	s3 =	sshrl.u32 s3, $0x2  }
0x30: {  	s2 =	sand.u32 $0x4000, s31;
	s1 =	sadd.s32 s3, s30  }
0x31: {  	s0 =	sor.u32 s2, s0;
	s1 =	sshll.u32 s1, $0x11  }
0x32: {  	s0 =	sor.u32 s1, s0  }
0x33: {  	s0 =	sadd.s32 $0x8F2B, s0  }
0x34: {  	[sflag:s0] =	ssyncadd.remote.s32 $0x1  }
0x35: {  	_ =	sfence.sel $0xFFFF  }
0x36: {  	[dreg:$0x0] =	wrdreg $0xFFFFFFFF;
	(pc) =	sbr.abs _section_cstart, $3  }
0x37: {  	[dreg:$0x1] =	wrdreg $0xFFFFFFFF  }
0x38: {  	_ =	task.clear_ibuf [dreg:s6], $0x2FFFF;
	_ =	strace $0x9FFFFFFF  }
0x39: {  	(tm) =	ssettm $0x7FFFFFFF  }
tec
execute0_lowered:
.L_overlay_start_1:
0x0: {  	(tag) =	ssettag $0x1  }
0x1: {  	s0 =	stileid.u32;
	s1 =	srdreg.scid  }
0x2: {  	s4 =	rddreg [dreg:$0x0];
	s7 =	simm.s32 $0x1;
	s31 =	simm.s32 $0x2  }
0x3: {  	s15 =	simm.s32 $0x0;
	s2 =	sshll.u32 s0, $0x5;
	s1 =	sshll.u32 s1, $0x9  }
0x4: {  	s9 =	simm.s32 $0x2000;
	s14 =	simm.s32 $0x0;
	s1 =	sor.u32 s2, s1  }
0x5: {  	s16 =	simm.s32 $0x0;
	s10 =	simm.s32 $0x0;
	s2 =	sand.u32 $0x380, s1  }
0x6: {  	s13 =	simm.s32 $0x0;
	s3 =	sadd.s32 $0x30000, s4;
	s5 =	ssub.s32 $0x800, s2  }
0x7: {  	s4 =	sadd.s32 $0x230000, s4;
	s1 =	rddreg [dreg:$0x1];
	s6 =	sand.u32 $0x380, s5  }
.Ltmp0:
0x8: {  	_ =	strace $0x80000050;
	p0 =	sne.s32 s6, $0x0;
	(pc) =	sbr.rel .LBB1_1-.Ltmp0, $4  }
0x9: {  	s11 =	smov.u32 s2;
	s8 =	sshrl.u32 s5, $0xA;
	s7 =	simm.s32 @!p0 $0x0  }
0xa: {  	s5 =	sand.u32 $0x3, s0;
	s6 =	simm.s32 $0x1;
	s7 =	sadd.s32 s7, s8  }
0xb: {  	s12 =	smov.u32 s5;
	[sflag:s6] =	ssyncpa.u1 $0x0;
	s7 =	sshll.u32 s7, $0x4  }
0xc: {  	p0 =	por $0x0, $0x0;
	[sflag:s31] =	ssyncpa.u1 $0x0;
	s8 =	sor.u32 $0x1, s7  }
.LBB1_4:
0xd: {  	v11 =	vld [tilespmem:s20+$0xFFFFFFE0];
	v12 =	vcombine.low v6, v7  }
0xe: {  	v3 =	vperm.xlane.i2c.b16 v3;
	[tilespmem:s22+$0x3870 ss:$0x81] =	vst.msk $0xffff, v9;
	v45 =	vld [tilespmem:s20+$0xFFFFFFF0];
	v4 =	vperm.xlane.i2c.b16 v4  }
0xf: {  	v46 =	vcombine.high v6, v7;
	[tilespmem:s19+$0x2040 ss:$0x81] =	vst.msk $0xffff, v10;
	v47 =	vld [tilespmem:s20+$0x0];
	v5 =	vperm.xlane.i2c.b16 v5  }
0x10: {  	v49 =	vld [tilespmem:s20+$0x10];
	v1 =	vperm.xlane.i2c.b16 v1;
	[tilespmem:s22+$0x810 ss:$0x81] =	vst.msk $0xffff, v12;
	v48 =	vcombine.low v8, v3  }
0x11: {  	v51 =	vld [tilespmem:s20+$0xFFFFFFC0];
	v58 =	vperm.xlane.i2c.b16 v2;
	v50 =	vcombine.low v4, v0;
	[tilespmem:s22+$0x2850 ss:$0x81] =	vst.msk $0xffff, v46  }
0x12: {  	s26 =	sshra.s32 s21, $0x2;
	v3 =	vcombine.high v8, v3;
	v52 =	vcombine.low v1, v5;
	[tilespmem:s22+$0x1020 ss:$0x81] =	vst.msk $0xffff, v48  }
0x13: {  	s17 =	sadd.s32 s26, s17;
	v1 =	vcombine.high v1, v5;
	v55 =	vcombine.high v4, v0;
	[tilespmem:s22+$0x0 ss:$0x81] =	vst.msk $0xffff, v50  }
0x14: {  	[tilespmem:s17+$0x1830 ss:$0x81] =	vst.msk $0xffff, v52;
	v11 =	vperm.xlane.i2c.b16 v11;
	v53 =	vperm.xlane.i2c.b16 v45  }
0x15: {  	[tilespmem:s22+$0x3060 ss:$0x81] =	vst.msk $0xffff, v3;
	v54 =	vperm.xlane.i2c.b16 v47;
	v57 =	vperm.xlane.i2c.b16 v49  }
0x16: {  	[tilespmem:s17+$0x3870 ss:$0x81] =	vst.msk $0xffff, v1;
	v60 =	vperm.xlane.i2c.b16 v51;
	v56 =	vcombine.low v11, v53  }
0x17: {  	[tilespmem:s22+$0x2040 ss:$0x81] =	vst.msk $0xffff, v55;
	v61 =	vcombine.low v54, v57  }
0x18: {  	s27 =	sshll.u32 s14, $0x3;
	s28 =	sshll.u32 s14, $0x1;
	s16 =	sshll.u32 s16, $0x13;
	v63 =	vcombine.low v60, v58;
	[tilespmem:s17+$0x810 ss:$0x81] =	vst.msk $0xffff, v56  }
0x19: {  	s15 =	sshll.u32 s15, $0xE;
	s29 =	sshrl.u32 s14, $0x1;
	s30 =	sand.u32 $0x7, s14;
	v59 =	vcombine.high v11, v53;
	[tilespmem:s17+$0x1020 ss:$0x81] =	vst.msk $0xffff, v61  }
0x1a: {  	s20 =	sand.u32 $0xF0, s28;
	s19 =	sand.u32 $0x400, s27;
	s16 =	sadd.s32 s4, s16;
	v62 =	vcombine.high v54, v57;
	[tilespmem:s17+$0x0 ss:$0x81] =	vst.msk $0xffff, v63  }
0x1b: {  	s19 =	sor.u32 s20, s19;
	s20 =	sand.u32 $0x3F80, s29;
	s15 =	sadd.s32 s15, s16;
	v0 =	vcombine.high v60, v58;
	[tilespmem:s17+$0x2850 ss:$0x81] =	vst.msk $0xffff, v59  }
0x1c: {  	s14 =	sshll.u32 s30, $0x12;
	s31 =	sshrl.u32 s19, $0x4;
	s15 =	sadd.s32 s20, s15;
	[tilespmem:s17+$0x3060 ss:$0x81] =	vst.msk $0xffff, v62  }
0x1d: {  	s14 =	sor.u32 $0x200, s14;
	s15 =	sadd.s32 s31, s15;
	[tilespmem:s17+$0x2040 ss:$0x81] =	vst.msk $0xffff, v0  }
0x1e: {  	[hbm4b:s15+s14] =	stream.strided.scatter [tilespmem:s18], [sflag:$0x2], $0x4000, s9, s14, $0x20;
	[tilespmem:$0x10100] =	vst v63  }
.LBB1_5:
0x1f: {  	s17 =	sadd.s32 $0x2, s10  }
0x20: {  	s14 =	sadd.s32 $0x400, s11;
	s18 =	smov.u32 s11;
	p2 =	sgt.s32 s17, $0x1F  }
0x21: {  	s18 =	smov.u32 @p2 s14  }
0x22: {  	s20 =	smov.u32 s12;
	s14 =	sadd.s32 $0x4, s12;
	p3 =	sgt.s32 s18, $0x7FF  }
0x23: {  	s20 =	smov.u32 @p3 s14  }
0x24: {  	s17 =	simm.s32 @p2 $0x0;
	p2 =	sgt.s32 s20, $0x3  }
0x25: {  	p1 =	slt.u32 s13, $0x2;
	s20 =	smov.u32 @p2 s5;
	p2 =	sne.s32 s13, s8  }
.Ltmp1:
0x26: {  	s19 =	simm.s32 @!p1 $0x2;
	(pc) =	sbr.rel @!p2 .LBB1_6-.Ltmp1, $4  }
0x27: {  	s15 =	smov.u32 s10;
	s16 =	smov.u32 s12;
	_ =	swait.ge @!p1 [sflag:s19], $0x4000  }
0x28: {  	p0 =	por !p0, !p0;
	[sflag:s19] =	ssyncset.done @!p1 $0x0;
	s10 =	smov.u32 s17  }
0x29: {  	s18 =	smov.u32 @p3 s2;
	s14 =	smov.u32 s11;
	[sflag:s19] =	ssyncadd.s32 @!p1 $0xFFFFC000  }
0x2a: {  	s11 =	smov.u32 s18;
	s13 =	sadd.s32 $0x1, s13;
	s12 =	smov.u32 s20  }
.LBB1_1:
0x2b: {  	p1 =	sge.u32 s13, s7;
	s31 =	sadd.s32 $0xFFFFFFFF, s13  }
0x2c: {  	s17 =	sshll.u32 @!p1 s12, $0x13;
	s18 =	sshll.u32 @!p1 s11, $0x8;
	s19 =	sshll.u32 @!p1 s10, $0x3  }
0x2d: {  	s20 =	sxor.u32 @!p1 $0xFFFFFFFF, s13;
	s17 =	sadd.s32 @!p1 s3, s17;
	s19 =	sand.u32 @!p1 $0xF0, s19  }
0x2e: {  	s17 =	sadd.s32 @!p1 s18, s17;
	s18 =	sshll.u32 @!p1 s20, $0xE;
	s20 =	simm.s32 @!p1 $0x800  }
0x2f: {  	s17 =	sadd.s32 @!p1 s19, s17;
	s18 =	sand.u32 @!p1 $0x4000, s18;
	s19 =	simm.s32 @!p1 $0x80  }
0x30: {  	[tilespmem:s18], [sflag:$0x1] =	stream.strided.gather @!p1 [hbm4b:s17+s19], $0x4000, s20, s19, $0x38;
	[tilespmem:$0x10100] =	vst v63  }
0x31: {  	p1 =	sge.u32 s31, s7  }
.Ltmp2:
0x32: {  	_ = 	snop;
	(pc) =	sbr.rel @p1 .LBB1_5-.Ltmp2, $1  }
0x33: {  	_ =	sdelay $0x3  }
0x34: {  	s17 =	simm.s32 $0x1  }
0x35: {  	_ =	swait.ge [sflag:s6], $0x4000;
	s17 =	simm.s32 @!p0 $0x0  }
0x36: {  	[sflag:s6] =	ssyncset.done $0x0;
	s18 =	sshll.u32 s17, $0xE  }
0x37: {  	[sflag:s6] =	ssyncadd.s32 $0xFFFFC000;
	s18 =	sor.u32 $0x40, s18  }
0x38: {  	v0 =	vld [tilespmem:s18+$0x20]  }
0x39: {  	v1 =	vld [tilespmem:s18+$0x30]  }
0x3a: {  	v2 =	vld [tilespmem:s18+$0xFFFFFFD0]  }
0x3b: {  	v3 =	vld [tilespmem:s18+$0xFFFFFFE0]  }
0x3c: {  	v4 =	vld [tilespmem:s18+$0xFFFFFFF0]  }
0x3d: {  	v5 =	vld [tilespmem:s18+$0x0]  }
0x3e: {  	v6 =	vld [tilespmem:s18+$0x10]  }
0x3f: {  	v7 =	vld [tilespmem:s18+$0xFFFFFFC0]  }
0x40: {  	s17 =	smul.u32 $0x10200, s17;
	v1 =	vperm.xlane.i2c.b16 v1;
	v0 =	vperm.xlane.i2c.b16 v0  }
0x41: {  	s18 =	sadd.s32 $0x80, s18;
	v10 =	vperm.xlane.i2c.b16 v2;
	v3 =	vperm.xlane.i2c.b16 v3  }
0x42: {  	s17 =	sshrl.u32 s17, $0x2;
	v9 =	vld [tilespmem:s18+$0x30];
	v4 =	vperm.xlane.i2c.b16 v4;
	v5 =	vperm.xlane.i2c.b16 v5  }
0x43: {  	s17 =	sor.u32 $0x8000, s17;
	v2 =	vld [tilespmem:s18+$0x20];
	v6 =	vperm.xlane.i2c.b16 v6;
	v8 =	vcombine.low v0, v1  }
0x44: {  	v12 =	vld [tilespmem:s18+$0xFFFFFFF0];
	s19 =	sadd.s32 $0x0, s17;
	v13 =	vperm.xlane.i2c.b16 v7;
	v11 =	vcombine.low v3, v4  }
0x45: {  	v0 =	vcombine.high v0, v1;
	v1 =	vld [tilespmem:s18+$0xFFFFFFD0];
	v7 =	vcombine.low v5, v6;
	[tilespmem:s19+$0x1830 ss:$0x81] =	vst.msk $0xffff, v8  }
0x46: {  	v8 =	vld [tilespmem:s18+$0xFFFFFFE0];
	[tilespmem:s19+$0x810 ss:$0x81] =	vst.msk $0xffff, v11  }
0x47: {  	v14 =	vld [tilespmem:s18+$0x0];
	v9 =	vperm.xlane.i2c.b16 v9;
	v5 =	vcombine.high v5, v6;
	[tilespmem:s19+$0x1020 ss:$0x81] =	vst.msk $0xffff, v7  }
0x48: {  	s20 =	sand.u32 $0x1, s13;
	[tilespmem:s19+$0x3870 ss:$0x81] =	vst.msk $0xffff, v0;
	v0 =	vcombine.high v3, v4;
	v3 =	vld [tilespmem:s18+$0x10];
	v2 =	vperm.xlane.i2c.b16 v2  }
0x49: {  	s21 =	smul.u32 $0x10200, s20;
	s20 =	sadd.s32 $0x80, s18;
	v11 =	vcombine.low v13, v10;
	v7 =	vperm.xlane.i2c.b16 v12;
	v4 =	vld [tilespmem:s18+$0xFFFFFFC0];
	[tilespmem:s19+$0x3060 ss:$0x81] =	vst.msk $0xffff, v5  }
0x4a: {  	v5 =	vld [tilespmem:s20+$0x30];
	[tilespmem:s19+$0x2850 ss:$0x81] =	vst.msk $0xffff, v0;
	v0 =	vperm.xlane.i2c.b16 v1;
	v15 =	vcombine.low v2, v9  }
0x4b: {  	s31 =	sshrl.u32 s21, $0x2;
	s22 =	sadd.s32 $0x1, s17;
	[tilespmem:s19+$0x0 ss:$0x81] =	vst.msk $0xffff, v11;
	v1 =	vld [tilespmem:s20+$0x20];
	v9 =	vcombine.high v2, v9;
	v6 =	vperm.xlane.i2c.b16 v8  }
0x4c: {  	s23 =	simm.s32 $0xC;
	s21 =	simm.s32 $0x8;
	v10 =	vcombine.high v13, v10;
	s18 =	sor.u32 $0x8000, s31;
	v2 =	vld [tilespmem:s20+$0xFFFFFFD0];
	v8 =	vperm.xlane.i2c.b16 v14;
	[tilespmem:s22+$0x1830 ss:$0x81] =	vst.msk $0xffff, v15  }
.LBB1_3:
0x4d: {  	p1 =	sne.s32 s23, $0x1FC;
	v11 =	vld [tilespmem:s20+$0xFFFFFFE0];
	v12 =	vcombine.low v6, v7;
	v3 =	vperm.xlane.i2c.b16 v3;
	[tilespmem:s22+$0x3870 ss:$0x81] =	vst.msk $0xffff, v9  }
0x4e: {  	v13 =	vperm.xlane.i2c.b16 v4;
	v4 =	vcombine.high v6, v7;
	v9 =	vld [tilespmem:s20+$0xFFFFFFF0];
	[tilespmem:s19+$0x2040 ss:$0x81] =	vst.msk $0xffff, v10;
	s19 =	smov.u32 s22  }
0x4f: {  	v10 =	vld [tilespmem:s20+$0x0];
	[tilespmem:s19+$0x810 ss:$0x81] =	vst.msk $0xffff, v12;
	v6 =	vcombine.low v8, v3;
	v7 =	vcombine.high v8, v3  }
.Ltmp3:
0x50: {  	v8 =	vperm.xlane.i2c.b16 v5;
	v12 =	vperm.xlane.i2c.b16 v1;
	v3 =	vld [tilespmem:s20+$0x10];
	[tilespmem:s19+$0x2850 ss:$0x81] =	vst.msk $0xffff, v4;
	(pc) =	sbr.rel @p1 .LBB1_3-.Ltmp3, $4  }
0x51: {  	v14 =	vperm.xlane.i2c.b16 v2;
	v2 =	vcombine.low v13, v0;
	v4 =	vld [tilespmem:s20+$0xFFFFFFC0];
	s20 =	sadd.s32 $0x80, s20;
	[tilespmem:s19+$0x1020 ss:$0x81] =	vst.msk $0xffff, v6  }
0x52: {  	s22 =	sshra.s32 s21, $0x2;
	s21 =	smov.u32 s23;
	v1 =	vld [tilespmem:s20+$0x20];
	v6 =	vperm.xlane.i2c.b16 v11;
	v11 =	vcombine.low v12, v8;
	[tilespmem:s19+$0x3060 ss:$0x81] =	vst.msk $0xffff, v7  }
0x53: {  	s22 =	sadd.s32 s22, s17;
	v5 =	vld [tilespmem:s20+$0x30];
	v7 =	vperm.xlane.i2c.b16 v9;
	v9 =	vcombine.high v12, v8;
	[tilespmem:s19+$0x0 ss:$0x81] =	vst.msk $0xffff, v2  }
0x54: {  	s23 =	sadd.s32 $0x4, s23;
	v2 =	vld [tilespmem:s20+$0xFFFFFFD0];
	v8 =	vperm.xlane.i2c.b16 v10;
	[tilespmem:s22+$0x1830 ss:$0x81] =	vst.msk $0xffff, v11;
	v10 =	vcombine.high v13, v0;
	v0 =	vmov v14  }
.Ltmp4:
0x55: {  	_ = 	snop;
	(pc) =	sbr.rel .LBB1_4-.Ltmp4, $1  }
0x56: {  	_ =	sdelay $0x3  }
.LBB1_6:
0x57: {  	_ =	sfence.sel $0x180000  }
0x58: {  	s2 =	simm.s32 $0x1;
	[bflag:$0x0] =	sbarrier.arrive $0xFFFF  }
0x59: {  	s31 =	simm.s32 $0x2;
	[sflag:s2] =	ssyncpa.u1 $0x1  }
0x5a: {  	[sflag:s31] =	ssyncpa.u1 $0x1  }
0x5b: {  	p0 =	sne.s32 s0, $0x0;
	_ =	strace $0x90000050  }
0x5c: {  	s0 =	sadd.s32 @!p0 $0x100000, s1;
	[bflag:$0x2] =	sbarrier.arrive $0xFFFF  }
0x5d: {  	[sflag:s0] =	ssyncadd.tile.s32 @!p0 $0x1;
	_ =	shalt  }
.Lfunc_end1:
_tile_overlayer_lowered:
.L_overlay_start_2:
0x5e: {  	(tag) =	ssettag $0x2  }
0x5f: {  	s0 =	rddreg [dreg:$0x0];
	s2 =	stileid.u32  }
0x60: {  	s1 =	rddreg [dreg:$0x1];
	p0 =	sne.s32 s2, $0x0  }
0x61: {  	s3 =	rddreg [dreg:$0x2];
	[bflag:$0x3] =	sbarrier.arrive $0xFFFF;
	s2 =	simm.s32 @!p0 $0x1C01  }
0x62: {  	[timem:s3], [sflag:s2] =	dma.local @!p0 [hbm:s0], s1  }
0x63: {  	s0 =	simm.s32 @!p0 $0x1  }
0x64: {  	_ =	swait.ge @!p0 [sflag:s0], s1  }
0x65: {  	s1 =	ssub.s32 @!p0 $0x0, s1;
	[sflag:s0] =	ssyncset.done @!p0 $0x0  }
0x66: {  	[sflag:s0] =	ssyncadd.s32 @!p0 s1  }
0x67: {  	[bflag:$0x3] =	sbarrier.arrive $0xFFFF  }
0x68: {  	_ =	shalt  }

</sc_bundles>
